<compile_context>
chip_gen: v7x
topology: tpu7x:2x2x1
jax: 0.10.2.dev20260603
libtpu: 0.0.44.dev20260713+nightly
codegen_flags: <defaults>
</compile_context>

<pallas_src>
import functools

import jax
import jax.numpy as jnp
from jax import lax
from jax.experimental import pallas as pl
from jax.experimental.pallas import tpu as pltpu
from jax.experimental.pallas import tpu_sc as plsc

N = 10000
D = 128
E = 320000
HID = 256

NC = 2
NS = 16
NW = NC * NS
EDGES_PER_TILE = E // NW
CH = 128
NCH = EDGES_PER_TILE // CH
TAIL = EDGES_PER_TILE - NCH * CH
PAD_N = 10240
ROWS_PER_TILE = PAD_N // NS


def _sc_aggregate(h, edge_index, zeros):
    mesh = plsc.VectorSubcoreMesh(core_axis_name="c", subcore_axis_name="s")

    @functools.partial(
        pl.kernel,
        mesh=mesh,
        out_type=jax.ShapeDtypeStruct((NC, PAD_N, D), jnp.float32),
        scratch_types=[
            pltpu.VMEM((2, CH), jnp.int32),
            pltpu.VMEM((2, CH), jnp.int32),
            pltpu.VMEM((CH, D), jnp.float32),
            pltpu.VMEM((CH, D), jnp.float32),
            pltpu.VMEM((2, TAIL), jnp.int32),
            pltpu.VMEM((TAIL, D), jnp.float32),
            pltpu.VMEM_SHARED((PAD_N, D), jnp.float32),
            pltpu.SemaphoreType.DMA,
            pltpu.SemaphoreType.DMA,
            pltpu.SemaphoreType.DMA,
            pltpu.SemaphoreType.DMA,
            pltpu.SemaphoreType.DMA,
        ],
    )
    def agg_kernel(h_hbm, edge_hbm, z_hbm, out_hbm,
                   idx_a, idx_b, rows_a, rows_b,
                   idx_t, rows_t, acc_sh,
                   sem_a, sem_b, sem_ia, sem_ib, sem_t):
        cid = lax.axis_index("c")
        sid = lax.axis_index("s")
        wid = cid * NS + sid
        row0 = sid * ROWS_PER_TILE
        tail0 = NCH * CH

        def idx_start(j, buf, sem):
            pltpu.async_copy(edge_hbm.at[:, wid, pl.ds(j * CH, CH)], buf, sem)

        def idx_wait(j, buf, sem):
            pltpu.make_async_copy(edge_hbm.at[:, wid, pl.ds(j * CH, CH)], buf, sem).wait()

        def gather_start(buf, rbuf, sem):
            pltpu.async_copy(h_hbm.at[buf.at[0]], rbuf, sem)

        def gather_wait(buf, rbuf, sem):
            pltpu.make_async_copy(h_hbm.at[buf.at[0]], rbuf, sem).wait()

        def scatter(rbuf, buf):
            pltpu.sync_copy(rbuf, acc_sh.at[buf.at[1]], add=True)

        idx_start(0, idx_a, sem_ia)
        pltpu.async_copy(edge_hbm.at[:, wid, pl.ds(tail0, TAIL)], idx_t, sem_t)
        idx_wait(0, idx_a, sem_ia)
        gather_start(idx_a, rows_a, sem_a)
        idx_start(1, idx_b, sem_ib)
        pltpu.make_async_copy(edge_hbm.at[:, wid, pl.ds(tail0, TAIL)], idx_t, sem_t).wait()
        pltpu.async_copy(h_hbm.at[idx_t.at[0]], rows_t, sem_t)
        pltpu.sync_copy(z_hbm.at[pl.ds(row0, ROWS_PER_TILE)],
                        acc_sh.at[pl.ds(row0, ROWS_PER_TILE)])
        plsc.subcore_barrier()

        @pl.loop(0, NCH - 2, step=2)
        def _(j):
            gather_wait(idx_a, rows_a, sem_a)
            idx_wait(j + 1, idx_b, sem_ib)
            gather_start(idx_b, rows_b, sem_b)
            scatter(rows_a, idx_a)
            idx_start(j + 2, idx_a, sem_ia)
            gather_wait(idx_b, rows_b, sem_b)
            idx_wait(j + 2, idx_a, sem_ia)
            gather_start(idx_a, rows_a, sem_a)
            scatter(rows_b, idx_b)
            idx_start(j + 3, idx_b, sem_ib)

        gather_wait(idx_a, rows_a, sem_a)
        idx_wait(NCH - 1, idx_b, sem_ib)
        gather_start(idx_b, rows_b, sem_b)
        scatter(rows_a, idx_a)
        gather_wait(idx_b, rows_b, sem_b)
        scatter(rows_b, idx_b)

        pltpu.make_async_copy(h_hbm.at[idx_t.at[0]], rows_t, sem_t).wait()
        pltpu.sync_copy(rows_t, acc_sh.at[idx_t.at[1]], add=True)

        plsc.subcore_barrier()

        pltpu.sync_copy(acc_sh.at[pl.ds(row0, ROWS_PER_TILE)],
                        out_hbm.at[cid, pl.ds(row0, ROWS_PER_TILE)])

    return agg_kernel(h, edge_index.reshape(2, NW, EDGES_PER_TILE), zeros)


def _tc_mlp(h, agg0, agg1, W1, b1, W2, b2, act):
    BN = 1000

    def mlp_kernel(h_ref, a0_ref, a1_ref, W1_ref, b1_ref, W2_ref, b2_ref, o_ref):
        z = h_ref[...] + a0_ref[...] + a1_ref[...]
        t = jnp.dot(z, W1_ref[...], preferred_element_type=jnp.float32)
        t = t + b1_ref[...]
        t = jnp.where(t > 0, t, 0.2 * t)
        o = jnp.dot(t, W2_ref[...], preferred_element_type=jnp.float32)
        o = o + b2_ref[...]
        if act:
            o = jnp.where(o > 0, o, 0.2 * o)
        o_ref[...] = o

    return pl.pallas_call(
        mlp_kernel,
        grid=(N // BN,),
        in_specs=[
            pl.BlockSpec((BN, D), lambda i: (i, 0)),
            pl.BlockSpec((BN, D), lambda i: (i, 0)),
            pl.BlockSpec((BN, D), lambda i: (i, 0)),
            pl.BlockSpec((D, HID), lambda i: (0, 0)),
            pl.BlockSpec((1, HID), lambda i: (0, 0)),
            pl.BlockSpec((HID, D), lambda i: (0, 0)),
            pl.BlockSpec((1, D), lambda i: (0, 0)),
        ],
        out_specs=pl.BlockSpec((BN, D), lambda i: (i, 0)),
        out_shape=jax.ShapeDtypeStruct((N, D), jnp.float32),
    )(h, agg0, agg1, W1, b1.reshape(1, HID), W2, b2.reshape(1, D))


def kernel(x, edge_index,
           W1_0, b1_0, W2_0, b2_0,
           W1_1, b1_1, W2_1, b2_1,
           W1_2, b1_2, W2_2, b2_2):
    zeros = jnp.zeros((PAD_N, D), jnp.float32)
    params = [(W1_0, b1_0, W2_0, b2_0),
              (W1_1, b1_1, W2_1, b2_1),
              (W1_2, b1_2, W2_2, b2_2)]
    h = x
    for l in range(3):
        agg = _sc_aggregate(h, edge_index, zeros)
        h = _tc_mlp(h, agg[0], agg[1], *params[l], act=(l < 2))
    return h

# --- scband reference (transcript-rebuilt; emitter-appended) ---
"""Pipeline reference for scband-gin-v2-38792144617976 (READ-ONLY COPY).

The authoritative reference and input builder live on the scoring server;
editing this copy changes nothing except your own understanding.
"""

import jax, jax.numpy as jnp
import numpy as np

N = 10000
E = 320000
D = 128
H = 128
OUT = 128


def _mlp(h, W1, b1, W2, b2):
    h = h @ W1 + b1
    h = jnp.where(h > 0, h, 0.2 * h)  # LeakyReLU(0.2)
    return h @ W2 + b2


def setup_inputs(seed: int = 0) -> dict:
    key = jax.random.key(seed)
    ks = jax.random.split(key, 14)
    inp = {}
    inp["x"] = jax.random.normal(ks[0], (N, D), dtype=jnp.float32)
    inp["edge_index"] = jax.random.randint(ks[1], (2, E), 0, N, dtype=jnp.int32)
    dims = [(D, H), (H, H), (H, OUT)]
    for l, (din, dout) in enumerate(dims):
        hid = 2 * H
        inp["W1_%d" % l] = jax.random.normal(ks[2 + 4 * l], (din, hid), dtype=jnp.float32) / np.sqrt(din)
        inp["b1_%d" % l] = jnp.zeros((hid,), dtype=jnp.float32)
        inp["W2_%d" % l] = jax.random.normal(ks[3 + 4 * l], (hid, dout), dtype=jnp.float32) / np.sqrt(hid)
        inp["b2_%d" % l] = jnp.zeros((dout,), dtype=jnp.float32)
    return inp


def reference(x, edge_index, W1_0, b1_0, W2_0, b2_0, W1_1, b1_1, W2_1, b2_1, W1_2, b1_2, W2_2, b2_2):
    # GIN_v2 with num_layer=3, JK='last', drop_ratio=0 (eval-mode dropout = identity).
    # GINConv (PyG, eps=0): h' = MLP(x + sum_{j in N(i)} x_j)
    src = edge_index[0]
    dst = edge_index[1]
    params = [(W1_0, b1_0, W2_0, b2_0),
              (W1_1, b1_1, W2_1, b2_1),
              (W1_2, b1_2, W2_2, b2_2)]
    h = x
    for l in range(3):
        agg = jax.ops.segment_sum(h[src], dst, num_segments=N)
        h = _mlp(h + agg, *params[l])
        if l < 2:
            h = jnp.where(h > 0, h, 0.2 * h)  # activation on all but last layer
    return h  # JK == 'last'

if __name__ == "__main__":
    import jax
    _d = setup_inputs()
    print(jax.jit(kernel)(*tuple(_d.values())))

</pallas_src>

<mosaic_0001>
#map = affine_map<(d0, d1) -> (0, 0)>
#map1 = affine_map<(d0, d1) -> (0, 0, 0)>
module attributes {stable_mosaic.version = 14 : i64} {
  func.func @agg_kernel(%arg0: i32, %arg1: i32, %arg2: memref<10000x128xf32, #tpu.memory_space<hbm>>, %arg3: memref<2x32x10000xi32, #tpu.memory_space<hbm>>, %arg4: memref<10240x128xf32, #tpu.memory_space<hbm>>, %arg5: memref<2x10240x128xf32, #tpu.memory_space<hbm>>, %arg6: memref<2x128xi32, #tpu.memory_space<vmem>>, %arg7: memref<2x128xi32, #tpu.memory_space<vmem>>, %arg8: memref<128x128xf32, #tpu.memory_space<vmem>>, %arg9: memref<128x128xf32, #tpu.memory_space<vmem>>, %arg10: memref<2x16xi32, #tpu.memory_space<vmem>>, %arg11: memref<16x128xf32, #tpu.memory_space<vmem>>, %arg12: memref<10240x128xf32, #tpu.memory_space<vmem_shared>>, %arg13: memref<!tpu.dma_semaphore, #tpu.memory_space<semaphore_mem>>, %arg14: memref<!tpu.dma_semaphore, #tpu.memory_space<semaphore_mem>>, %arg15: memref<!tpu.dma_semaphore, #tpu.memory_space<semaphore_mem>>, %arg16: memref<!tpu.dma_semaphore, #tpu.memory_space<semaphore_mem>>, %arg17: memref<!tpu.dma_semaphore, #tpu.memory_space<semaphore_mem>>) attributes {dimension_semantics = [#tpu.dimension_semantics<core_parallel>, #tpu.dimension_semantics<subcore_parallel>], iteration_bounds = array<i64: 2, 16>, scalar_prefetch = 0 : i64, scratch_operands = 12 : i64, tpu.core_type = #tpu.core_type<sc_vector_subcore>, window_params = [{transform_indices = #map}, {transform_indices = #map1}, {transform_indices = #map}, {transform_indices = #map1}]} {
    %mul3A = arith.constant 16 : i32
    %mul3A_0 = arith.muli %arg0, %mul3A : i32
    %add3A = arith.addi %mul3A_0, %arg1 : i32
    %mul3A_1 = arith.constant 640 : i32
    %mul3A_2 = arith.muli %arg1, %mul3A_1 : i32
    %dma_start3A = arith.constant 0 : i32
    %dma_start3A_3 = arith.constant 0 : i32
    %dma_start3A_4 = tpu.memref_slice %arg3[%dma_start3A, %add3A, %dma_start3A_3] : memref<2x32x10000xi32, #tpu.memory_space<hbm>> -> memref<2x1x128xi32, #tpu.memory_space<hbm>>
    %dma_start3A_5 = tpu.memref_squeeze %dma_start3A_4 : memref<2x1x128xi32, #tpu.memory_space<hbm>> -> memref<2x128xi32, #tpu.memory_space<hbm>>
    %dma_start3A_6 = arith.constant 0 : i32
    %dma_start3A_7 = arith.constant 0 : i32
    %dma_start3A_8 = tpu.memref_slice %arg3[%dma_start3A_6, %add3A, %dma_start3A_7] : memref<2x32x10000xi32, #tpu.memory_space<hbm>> -> memref<2x1x128xi32, #tpu.memory_space<hbm>>
    %dma_start3A_9 = tpu.memref_squeeze %dma_start3A_8 : memref<2x1x128xi32, #tpu.memory_space<hbm>> -> memref<2x128xi32, #tpu.memory_space<hbm>>
    tpu.enqueue_dma source(%dma_start3A_9 : memref<2x128xi32, #tpu.memory_space<hbm>>) target(%arg6 : memref<2x128xi32, #tpu.memory_space<vmem>>) target_semaphore(%arg15 : memref<!tpu.dma_semaphore, #tpu.memory_space<semaphore_mem>>)
    %dma_start3A_10 = arith.constant 0 : i32
    %dma_start3A_11 = arith.constant 9984 : i32
    %dma_start3A_12 = tpu.memref_slice %arg3[%dma_start3A_10, %add3A, %dma_start3A_11] : memref<2x32x10000xi32, #tpu.memory_space<hbm>> -> memref<2x1x16xi32, #tpu.memory_space<hbm>>
    %dma_start3A_13 = tpu.memref_squeeze %dma_start3A_12 : memref<2x1x16xi32, #tpu.memory_space<hbm>> -> memref<2x16xi32, #tpu.memory_space<hbm>>
    %dma_start3A_14 = arith.constant 0 : i32
    %dma_start3A_15 = arith.constant 9984 : i32
    %dma_start3A_16 = tpu.memref_slice %arg3[%dma_start3A_14, %add3A, %dma_start3A_15] : memref<2x32x10000xi32, #tpu.memory_space<hbm>> -> memref<2x1x16xi32, #tpu.memory_space<hbm>>
    %dma_start3A_17 = tpu.memref_squeeze %dma_start3A_16 : memref<2x1x16xi32, #tpu.memory_space<hbm>> -> memref<2x16xi32, #tpu.memory_space<hbm>>
    tpu.enqueue_dma source(%dma_start3A_17 : memref<2x16xi32, #tpu.memory_space<hbm>>) target(%arg10 : memref<2x16xi32, #tpu.memory_space<vmem>>) target_semaphore(%arg17 : memref<!tpu.dma_semaphore, #tpu.memory_space<semaphore_mem>>)
    %dma_wait3A = arith.constant 0 : i32
    %dma_wait3A_18 = arith.constant 0 : i32
    %dma_wait3A_19 = tpu.memref_slice %arg3[%dma_wait3A, %add3A, %dma_wait3A_18] : memref<2x32x10000xi32, #tpu.memory_space<hbm>> -> memref<2x1x128xi32, #tpu.memory_space<hbm>>
    %dma_wait3A_20 = tpu.memref_squeeze %dma_wait3A_19 : memref<2x1x128xi32, #tpu.memory_space<hbm>> -> memref<2x128xi32, #tpu.memory_space<hbm>>
    %dma_wait3A_21 = arith.constant 0 : i32
    %dma_wait3A_22 = arith.constant 0 : i32
    %dma_wait3A_23 = tpu.memref_slice %arg3[%dma_wait3A_21, %add3A, %dma_wait3A_22] : memref<2x32x10000xi32, #tpu.memory_space<hbm>> -> memref<2x1x128xi32, #tpu.memory_space<hbm>>
    %dma_wait3A_24 = tpu.memref_squeeze %dma_wait3A_23 : memref<2x1x128xi32, #tpu.memory_space<hbm>> -> memref<2x128xi32, #tpu.memory_space<hbm>>
    tpu.wait_dma2 semaphore(%arg15 : memref<!tpu.dma_semaphore, #tpu.memory_space<semaphore_mem>>) src(%dma_wait3A_24 : memref<2x128xi32, #tpu.memory_space<hbm>>) dst(%arg6 : memref<2x128xi32, #tpu.memory_space<vmem>>)
    %dma_start3A_25 = arith.constant 0 : i32
    %dma_start3A_26 = arith.constant 0 : i32
    %dma_start3A_27 = tpu.memref_slice %arg6[%dma_start3A_25, %dma_start3A_26] : memref<2x128xi32, #tpu.memory_space<vmem>> -> memref<1x128xi32, #tpu.memory_space<vmem>>
    %dma_start3A_28 = tpu.memref_squeeze %dma_start3A_27 : memref<1x128xi32, #tpu.memory_space<vmem>> -> memref<128xi32, #tpu.memory_space<vmem>>
    %dma_start3A_29 = arith.constant 0 : i32
    %dma_start3A_30 = arith.constant 0 : i32
    %dma_start3A_31 = tpu.memref_slice %arg2[%dma_start3A_29, %dma_start3A_30] : memref<10000x128xf32, #tpu.memory_space<hbm>> -> memref<10000x128xf32, #tpu.memory_space<hbm>>
    tpu.enqueue_indirect_dma source(%dma_start3A_31 : memref<10000x128xf32, #tpu.memory_space<hbm>>) target(%arg8 : memref<128x128xf32, #tpu.memory_space<vmem>>) offsets(%dma_start3A_28 : memref<128xi32, #tpu.memory_space<vmem>>) semaphore(%arg13 : memref<!tpu.dma_semaphore, #tpu.memory_space<semaphore_mem>>)
    %dma_start3A_32 = arith.constant 0 : i32
    %dma_start3A_33 = arith.constant 128 : i32
    %dma_start3A_34 = tpu.memref_slice %arg3[%dma_start3A_32, %add3A, %dma_start3A_33] : memref<2x32x10000xi32, #tpu.memory_space<hbm>> -> memref<2x1x128xi32, #tpu.memory_space<hbm>>
    %dma_start3A_35 = tpu.memref_squeeze %dma_start3A_34 : memref<2x1x128xi32, #tpu.memory_space<hbm>> -> memref<2x128xi32, #tpu.memory_space<hbm>>
    %dma_start3A_36 = arith.constant 0 : i32
    %dma_start3A_37 = arith.constant 128 : i32
    %dma_start3A_38 = tpu.memref_slice %arg3[%dma_start3A_36, %add3A, %dma_start3A_37] : memref<2x32x10000xi32, #tpu.memory_space<hbm>> -> memref<2x1x128xi32, #tpu.memory_space<hbm>>
    %dma_start3A_39 = tpu.memref_squeeze %dma_start3A_38 : memref<2x1x128xi32, #tpu.memory_space<hbm>> -> memref<2x128xi32, #tpu.memory_space<hbm>>
    tpu.enqueue_dma source(%dma_start3A_39 : memref<2x128xi32, #tpu.memory_space<hbm>>) target(%arg7 : memref<2x128xi32, #tpu.memory_space<vmem>>) target_semaphore(%arg16 : memref<!tpu.dma_semaphore, #tpu.memory_space<semaphore_mem>>)
    %dma_wait3A_40 = arith.constant 0 : i32
    %dma_wait3A_41 = arith.constant 9984 : i32
    %dma_wait3A_42 = tpu.memref_slice %arg3[%dma_wait3A_40, %add3A, %dma_wait3A_41] : memref<2x32x10000xi32, #tpu.memory_space<hbm>> -> memref<2x1x16xi32, #tpu.memory_space<hbm>>
    %dma_wait3A_43 = tpu.memref_squeeze %dma_wait3A_42 : memref<2x1x16xi32, #tpu.memory_space<hbm>> -> memref<2x16xi32, #tpu.memory_space<hbm>>
    %dma_wait3A_44 = arith.constant 0 : i32
    %dma_wait3A_45 = arith.constant 9984 : i32
    %dma_wait3A_46 = tpu.memref_slice %arg3[%dma_wait3A_44, %add3A, %dma_wait3A_45] : memref<2x32x10000xi32, #tpu.memory_space<hbm>> -> memref<2x1x16xi32, #tpu.memory_space<hbm>>
    %dma_wait3A_47 = tpu.memref_squeeze %dma_wait3A_46 : memref<2x1x16xi32, #tpu.memory_space<hbm>> -> memref<2x16xi32, #tpu.memory_space<hbm>>
    tpu.wait_dma2 semaphore(%arg17 : memref<!tpu.dma_semaphore, #tpu.memory_space<semaphore_mem>>) src(%dma_wait3A_47 : memref<2x16xi32, #tpu.memory_space<hbm>>) dst(%arg10 : memref<2x16xi32, #tpu.memory_space<vmem>>)
    %dma_start3A_48 = arith.constant 0 : i32
    %dma_start3A_49 = arith.constant 0 : i32
    %dma_start3A_50 = tpu.memref_slice %arg10[%dma_start3A_48, %dma_start3A_49] : memref<2x16xi32, #tpu.memory_space<vmem>> -> memref<1x16xi32, #tpu.memory_space<vmem>>
    %dma_start3A_51 = tpu.memref_squeeze %dma_start3A_50 : memref<1x16xi32, #tpu.memory_space<vmem>> -> memref<16xi32, #tpu.memory_space<vmem>>
    %dma_start3A_52 = arith.constant 0 : i32
    %dma_start3A_53 = arith.constant 0 : i32
    %dma_start3A_54 = tpu.memref_slice %arg2[%dma_start3A_52, %dma_start3A_53] : memref<10000x128xf32, #tpu.memory_space<hbm>> -> memref<10000x128xf32, #tpu.memory_space<hbm>>
    tpu.enqueue_indirect_dma source(%dma_start3A_54 : memref<10000x128xf32, #tpu.memory_space<hbm>>) target(%arg11 : memref<16x128xf32, #tpu.memory_space<vmem>>) offsets(%dma_start3A_51 : memref<16xi32, #tpu.memory_space<vmem>>) semaphore(%arg17 : memref<!tpu.dma_semaphore, #tpu.memory_space<semaphore_mem>>)
    "tpu.region"() ({
      %run_scoped3A_98 = tpu.sem_alloc : memref<!tpu.dma_semaphore, #tpu.memory_space<semaphore_mem>>
      %dma_start3A_99 = arith.constant 0 : i32
      %dma_start3A_100 = tpu.memref_slice %arg12[%mul3A_2, %dma_start3A_99] : memref<10240x128xf32, #tpu.memory_space<vmem_shared>> -> memref<640x128xf32, #tpu.memory_space<vmem_shared>>
      %dma_start3A_101 = arith.constant 0 : i32
      %dma_start3A_102 = tpu.memref_slice %arg4[%mul3A_2, %dma_start3A_101] : memref<10240x128xf32, #tpu.memory_space<hbm>> -> memref<640x128xf32, #tpu.memory_space<hbm>>
      tpu.enqueue_dma source(%dma_start3A_102 : memref<640x128xf32, #tpu.memory_space<hbm>>) target(%dma_start3A_100 : memref<640x128xf32, #tpu.memory_space<vmem_shared>>) target_semaphore(%run_scoped3A_98 : memref<!tpu.dma_semaphore, #tpu.memory_space<semaphore_mem>>)
      %dma_wait3A_103 = arith.constant 0 : i32
      %dma_wait3A_104 = tpu.memref_slice %arg12[%mul3A_2, %dma_wait3A_103] : memref<10240x128xf32, #tpu.memory_space<vmem_shared>> -> memref<640x128xf32, #tpu.memory_space<vmem_shared>>
      %dma_wait3A_105 = arith.constant 0 : i32
      %dma_wait3A_106 = tpu.memref_slice %arg4[%mul3A_2, %dma_wait3A_105] : memref<10240x128xf32, #tpu.memory_space<hbm>> -> memref<640x128xf32, #tpu.memory_space<hbm>>
      tpu.wait_dma2 semaphore(%run_scoped3A_98 : memref<!tpu.dma_semaphore, #tpu.memory_space<semaphore_mem>>) src(%dma_wait3A_106 : memref<640x128xf32, #tpu.memory_space<hbm>>) dst(%dma_wait3A_104 : memref<640x128xf32, #tpu.memory_space<vmem_shared>>)
      tpu.yield
    }) : () -> ()
    %barrier3A = arith.constant 0 : index
    tpu.barrier barrier_id(%barrier3A)
    %scan3A = arith.constant 0 : i32
    %scan3A_55 = arith.constant 38 : i32
    %scan3A_56 = arith.addi %scan3A, %scan3A_55 : i32
    %scan3A_57 = arith.constant 1 : i32
    scf.for %scan3A_98 = %scan3A to %scan3A_56 step %scan3A_57  : i32 {
      %mul3A_99 = arith.constant 2 : i32
      %mul3A_100 = arith.muli %scan3A_98, %mul3A_99 : i32
      %add3A_101 = arith.constant 0 : i32
      %add3A_102 = arith.addi %add3A_101, %mul3A_100 : i32
      %dma_wait3A_103 = arith.constant 0 : i32
      %dma_wait3A_104 = arith.constant 0 : i32
      %dma_wait3A_105 = tpu.memref_slice %arg6[%dma_wait3A_103, %dma_wait3A_104] : memref<2x128xi32, #tpu.memory_space<vmem>> -> memref<1x128xi32, #tpu.memory_space<vmem>>
      %dma_wait3A_106 = tpu.memref_squeeze %dma_wait3A_105 : memref<1x128xi32, #tpu.memory_space<vmem>> -> memref<128xi32, #tpu.memory_space<vmem>>
      %dma_wait3A_107 = arith.constant 0 : i32
      %dma_wait3A_108 = arith.constant 0 : i32
      %dma_wait3A_109 = tpu.memref_slice %arg2[%dma_wait3A_107, %dma_wait3A_108] : memref<10000x128xf32, #tpu.memory_space<hbm>> -> memref<10000x128xf32, #tpu.memory_space<hbm>>
      tpu.wait_indirect_dma semaphore(%arg13 : memref<!tpu.dma_semaphore, #tpu.memory_space<semaphore_mem>>) src(%dma_wait3A_109 : memref<10000x128xf32, #tpu.memory_space<hbm>>) dst(%arg8 : memref<128x128xf32, #tpu.memory_space<vmem>>)
      %add3A_110 = arith.constant 1 : i32
      %add3A_111 = arith.addi %add3A_102, %add3A_110 : i32
      %mul3A_112 = arith.constant 128 : i32
      %mul3A_113 = arith.muli %add3A_111, %mul3A_112 : i32
      %dma_wait3A_114 = arith.constant 0 : i32
      %dma_wait3A_115 = tpu.memref_slice %arg3[%dma_wait3A_114, %add3A, %mul3A_113] : memref<2x32x10000xi32, #tpu.memory_space<hbm>> -> memref<2x1x128xi32, #tpu.memory_space<hbm>>
      %dma_wait3A_116 = tpu.memref_squeeze %dma_wait3A_115 : memref<2x1x128xi32, #tpu.memory_space<hbm>> -> memref<2x128xi32, #tpu.memory_space<hbm>>
      %dma_wait3A_117 = arith.constant 0 : i32
      %dma_wait3A_118 = tpu.memref_slice %arg3[%dma_wait3A_117, %add3A, %mul3A_113] : memref<2x32x10000xi32, #tpu.memory_space<hbm>> -> memref<2x1x128xi32, #tpu.memory_space<hbm>>
      %dma_wait3A_119 = tpu.memref_squeeze %dma_wait3A_118 : memref<2x1x128xi32, #tpu.memory_space<hbm>> -> memref<2x128xi32, #tpu.memory_space<hbm>>
      tpu.wait_dma2 semaphore(%arg16 : memref<!tpu.dma_semaphore, #tpu.memory_space<semaphore_mem>>) src(%dma_wait3A_119 : memref<2x128xi32, #tpu.memory_space<hbm>>) dst(%arg7 : memref<2x128xi32, #tpu.memory_space<vmem>>)
      %dma_start3A_120 = arith.constant 0 : i32
      %dma_start3A_121 = arith.constant 0 : i32
      %dma_start3A_122 = tpu.memref_slice %arg7[%dma_start3A_120, %dma_start3A_121] : memref<2x128xi32, #tpu.memory_space<vmem>> -> memref<1x128xi32, #tpu.memory_space<vmem>>
      %dma_start3A_123 = tpu.memref_squeeze %dma_start3A_122 : memref<1x128xi32, #tpu.memory_space<vmem>> -> memref<128xi32, #tpu.memory_space<vmem>>
      %dma_start3A_124 = arith.constant 0 : i32
      %dma_start3A_125 = arith.constant 0 : i32
      %dma_start3A_126 = tpu.memref_slice %arg2[%dma_start3A_124, %dma_start3A_125] : memref<10000x128xf32, #tpu.memory_space<hbm>> -> memref<10000x128xf32, #tpu.memory_space<hbm>>
      tpu.enqueue_indirect_dma source(%dma_start3A_126 : memref<10000x128xf32, #tpu.memory_space<hbm>>) target(%arg9 : memref<128x128xf32, #tpu.memory_space<vmem>>) offsets(%dma_start3A_123 : memref<128xi32, #tpu.memory_space<vmem>>) semaphore(%arg14 : memref<!tpu.dma_semaphore, #tpu.memory_space<semaphore_mem>>)
      %run_scoped3A_127 = arith.constant 1 : i32
      "tpu.region"() ({
        %run_scoped3A_173 = tpu.sem_alloc : memref<!tpu.dma_semaphore, #tpu.memory_space<semaphore_mem>>
        %dma_start3A_174 = arith.constant 0 : i32
        %dma_start3A_175 = tpu.memref_slice %arg6[%run_scoped3A_127, %dma_start3A_174] : memref<2x128xi32, #tpu.memory_space<vmem>> -> memref<1x128xi32, #tpu.memory_space<vmem>>
        %dma_start3A_176 = tpu.memref_squeeze %dma_start3A_175 : memref<1x128xi32, #tpu.memory_space<vmem>> -> memref<128xi32, #tpu.memory_space<vmem>>
        %dma_start3A_177 = arith.constant 0 : i32
        %dma_start3A_178 = arith.constant 0 : i32
        %dma_start3A_179 = tpu.memref_slice %arg12[%dma_start3A_177, %dma_start3A_178] : memref<10240x128xf32, #tpu.memory_space<vmem_shared>> -> memref<10240x128xf32, #tpu.memory_space<vmem_shared>>
        tpu.enqueue_indirect_dma source(%arg8 : memref<128x128xf32, #tpu.memory_space<vmem>>) target(%dma_start3A_179 : memref<10240x128xf32, #tpu.memory_space<vmem_shared>>) offsets(%dma_start3A_176 : memref<128xi32, #tpu.memory_space<vmem>>) semaphore(%run_scoped3A_173 : memref<!tpu.dma_semaphore, #tpu.memory_space<semaphore_mem>>) {add = true}
        %dma_wait3A_180 = arith.constant 0 : i32
        %dma_wait3A_181 = tpu.memref_slice %arg6[%run_scoped3A_127, %dma_wait3A_180] : memref<2x128xi32, #tpu.memory_space<vmem>> -> memref<1x128xi32, #tpu.memory_space<vmem>>
        %dma_wait3A_182 = tpu.memref_squeeze %dma_wait3A_181 : memref<1x128xi32, #tpu.memory_space<vmem>> -> memref<128xi32, #tpu.memory_space<vmem>>
        %dma_wait3A_183 = arith.constant 0 : i32
        %dma_wait3A_184 = arith.constant 0 : i32
        %dma_wait3A_185 = tpu.memref_slice %arg12[%dma_wait3A_183, %dma_wait3A_184] : memref<10240x128xf32, #tpu.memory_space<vmem_shared>> -> memref<10240x128xf32, #tpu.memory_space<vmem_shared>>
        tpu.wait_indirect_dma semaphore(%run_scoped3A_173 : memref<!tpu.dma_semaphore, #tpu.memory_space<semaphore_mem>>) src(%arg8 : memref<128x128xf32, #tpu.memory_space<vmem>>) dst(%dma_wait3A_185 : memref<10240x128xf32, #tpu.memory_space<vmem_shared>>)
        tpu.yield
      }) : () -> ()
      %add3A_128 = arith.constant 2 : i32
      %add3A_129 = arith.addi %add3A_102, %add3A_128 : i32
      %mul3A_130 = arith.constant 128 : i32
      %mul3A_131 = arith.muli %add3A_129, %mul3A_130 : i32
      %dma_start3A_132 = arith.constant 0 : i32
      %dma_start3A_133 = tpu.memref_slice %arg3[%dma_start3A_132, %add3A, %mul3A_131] : memref<2x32x10000xi32, #tpu.memory_space<hbm>> -> memref<2x1x128xi32, #tpu.memory_space<hbm>>
      %dma_start3A_134 = tpu.memref_squeeze %dma_start3A_133 : memref<2x1x128xi32, #tpu.memory_space<hbm>> -> memref<2x128xi32, #tpu.memory_space<hbm>>
      %dma_start3A_135 = arith.constant 0 : i32
      %dma_start3A_136 = tpu.memref_slice %arg3[%dma_start3A_135, %add3A, %mul3A_131] : memref<2x32x10000xi32, #tpu.memory_space<hbm>> -> memref<2x1x128xi32, #tpu.memory_space<hbm>>
      %dma_start3A_137 = tpu.memref_squeeze %dma_start3A_136 : memref<2x1x128xi32, #tpu.memory_space<hbm>> -> memref<2x128xi32, #tpu.memory_space<hbm>>
      tpu.enqueue_dma source(%dma_start3A_137 : memref<2x128xi32, #tpu.memory_space<hbm>>) target(%arg6 : memref<2x128xi32, #tpu.memory_space<vmem>>) target_semaphore(%arg15 : memref<!tpu.dma_semaphore, #tpu.memory_space<semaphore_mem>>)
      %dma_wait3A_138 = arith.constant 0 : i32
      %dma_wait3A_139 = arith.constant 0 : i32
      %dma_wait3A_140 = tpu.memref_slice %arg7[%dma_wait3A_138, %dma_wait3A_139] : memref<2x128xi32, #tpu.memory_space<vmem>> -> memref<1x128xi32, #tpu.memory_space<vmem>>
      %dma_wait3A_141 = tpu.memref_squeeze %dma_wait3A_140 : memref<1x128xi32, #tpu.memory_space<vmem>> -> memref<128xi32, #tpu.memory_space<vmem>>
      %dma_wait3A_142 = arith.constant 0 : i32
      %dma_wait3A_143 = arith.constant 0 : i32
      %dma_wait3A_144 = tpu.memref_slice %arg2[%dma_wait3A_142, %dma_wait3A_143] : memref<10000x128xf32, #tpu.memory_space<hbm>> -> memref<10000x128xf32, #tpu.memory_space<hbm>>
      tpu.wait_indirect_dma semaphore(%arg14 : memref<!tpu.dma_semaphore, #tpu.memory_space<semaphore_mem>>) src(%dma_wait3A_144 : memref<10000x128xf32, #tpu.memory_space<hbm>>) dst(%arg9 : memref<128x128xf32, #tpu.memory_space<vmem>>)
      %add3A_145 = arith.constant 2 : i32
      %add3A_146 = arith.addi %add3A_102, %add3A_145 : i32
      %mul3A_147 = arith.constant 128 : i32
      %mul3A_148 = arith.muli %add3A_146, %mul3A_147 : i32
      %dma_wait3A_149 = arith.constant 0 : i32
      %dma_wait3A_150 = tpu.memref_slice %arg3[%dma_wait3A_149, %add3A, %mul3A_148] : memref<2x32x10000xi32, #tpu.memory_space<hbm>> -> memref<2x1x128xi32, #tpu.memory_space<hbm>>
      %dma_wait3A_151 = tpu.memref_squeeze %dma_wait3A_150 : memref<2x1x128xi32, #tpu.memory_space<hbm>> -> memref<2x128xi32, #tpu.memory_space<hbm>>
      %dma_wait3A_152 = arith.constant 0 : i32
      %dma_wait3A_153 = tpu.memref_slice %arg3[%dma_wait3A_152, %add3A, %mul3A_148] : memref<2x32x10000xi32, #tpu.memory_space<hbm>> -> memref<2x1x128xi32, #tpu.memory_space<hbm>>
      %dma_wait3A_154 = tpu.memref_squeeze %dma_wait3A_153 : memref<2x1x128xi32, #tpu.memory_space<hbm>> -> memref<2x128xi32, #tpu.memory_space<hbm>>
      tpu.wait_dma2 semaphore(%arg15 : memref<!tpu.dma_semaphore, #tpu.memory_space<semaphore_mem>>) src(%dma_wait3A_154 : memref<2x128xi32, #tpu.memory_space<hbm>>) dst(%arg6 : memref<2x128xi32, #tpu.memory_space<vmem>>)
      %dma_start3A_155 = arith.constant 0 : i32
      %dma_start3A_156 = arith.constant 0 : i32
      %dma_start3A_157 = tpu.memref_slice %arg6[%dma_start3A_155, %dma_start3A_156] : memref<2x128xi32, #tpu.memory_space<vmem>> -> memref<1x128xi32, #tpu.memory_space<vmem>>
      %dma_start3A_158 = tpu.memref_squeeze %dma_start3A_157 : memref<1x128xi32, #tpu.memory_space<vmem>> -> memref<128xi32, #tpu.memory_space<vmem>>
      %dma_start3A_159 = arith.constant 0 : i32
      %dma_start3A_160 = arith.constant 0 : i32
      %dma_start3A_161 = tpu.memref_slice %arg2[%dma_start3A_159, %dma_start3A_160] : memref<10000x128xf32, #tpu.memory_space<hbm>> -> memref<10000x128xf32, #tpu.memory_space<hbm>>
      tpu.enqueue_indirect_dma source(%dma_start3A_161 : memref<10000x128xf32, #tpu.memory_space<hbm>>) target(%arg8 : memref<128x128xf32, #tpu.memory_space<vmem>>) offsets(%dma_start3A_158 : memref<128xi32, #tpu.memory_space<vmem>>) semaphore(%arg13 : memref<!tpu.dma_semaphore, #tpu.memory_space<semaphore_mem>>)
      %run_scoped3A_162 = arith.constant 1 : i32
      "tpu.region"() ({
        %run_scoped3A_173 = tpu.sem_alloc : memref<!tpu.dma_semaphore, #tpu.memory_space<semaphore_mem>>
        %dma_start3A_174 = arith.constant 0 : i32
        %dma_start3A_175 = tpu.memref_slice %arg7[%run_scoped3A_162, %dma_start3A_174] : memref<2x128xi32, #tpu.memory_space<vmem>> -> memref<1x128xi32, #tpu.memory_space<vmem>>
        %dma_start3A_176 = tpu.memref_squeeze %dma_start3A_175 : memref<1x128xi32, #tpu.memory_space<vmem>> -> memref<128xi32, #tpu.memory_space<vmem>>
        %dma_start3A_177 = arith.constant 0 : i32
        %dma_start3A_178 = arith.constant 0 : i32
        %dma_start3A_179 = tpu.memref_slice %arg12[%dma_start3A_177, %dma_start3A_178] : memref<10240x128xf32, #tpu.memory_space<vmem_shared>> -> memref<10240x128xf32, #tpu.memory_space<vmem_shared>>
        tpu.enqueue_indirect_dma source(%arg9 : memref<128x128xf32, #tpu.memory_space<vmem>>) target(%dma_start3A_179 : memref<10240x128xf32, #tpu.memory_space<vmem_shared>>) offsets(%dma_start3A_176 : memref<128xi32, #tpu.memory_space<vmem>>) semaphore(%run_scoped3A_173 : memref<!tpu.dma_semaphore, #tpu.memory_space<semaphore_mem>>) {add = true}
        %dma_wait3A_180 = arith.constant 0 : i32
        %dma_wait3A_181 = tpu.memref_slice %arg7[%run_scoped3A_162, %dma_wait3A_180] : memref<2x128xi32, #tpu.memory_space<vmem>> -> memref<1x128xi32, #tpu.memory_space<vmem>>
        %dma_wait3A_182 = tpu.memref_squeeze %dma_wait3A_181 : memref<1x128xi32, #tpu.memory_space<vmem>> -> memref<128xi32, #tpu.memory_space<vmem>>
        %dma_wait3A_183 = arith.constant 0 : i32
        %dma_wait3A_184 = arith.constant 0 : i32
        %dma_wait3A_185 = tpu.memref_slice %arg12[%dma_wait3A_183, %dma_wait3A_184] : memref<10240x128xf32, #tpu.memory_space<vmem_shared>> -> memref<10240x128xf32, #tpu.memory_space<vmem_shared>>
        tpu.wait_indirect_dma semaphore(%run_scoped3A_173 : memref<!tpu.dma_semaphore, #tpu.memory_space<semaphore_mem>>) src(%arg9 : memref<128x128xf32, #tpu.memory_space<vmem>>) dst(%dma_wait3A_185 : memref<10240x128xf32, #tpu.memory_space<vmem_shared>>)
        tpu.yield
      }) : () -> ()
      %add3A_163 = arith.constant 3 : i32
      %add3A_164 = arith.addi %add3A_102, %add3A_163 : i32
      %mul3A_165 = arith.constant 128 : i32
      %mul3A_166 = arith.muli %add3A_164, %mul3A_165 : i32
      %dma_start3A_167 = arith.constant 0 : i32
      %dma_start3A_168 = tpu.memref_slice %arg3[%dma_start3A_167, %add3A, %mul3A_166] : memref<2x32x10000xi32, #tpu.memory_space<hbm>> -> memref<2x1x128xi32, #tpu.memory_space<hbm>>
      %dma_start3A_169 = tpu.memref_squeeze %dma_start3A_168 : memref<2x1x128xi32, #tpu.memory_space<hbm>> -> memref<2x128xi32, #tpu.memory_space<hbm>>
      %dma_start3A_170 = arith.constant 0 : i32
      %dma_start3A_171 = tpu.memref_slice %arg3[%dma_start3A_170, %add3A, %mul3A_166] : memref<2x32x10000xi32, #tpu.memory_space<hbm>> -> memref<2x1x128xi32, #tpu.memory_space<hbm>>
      %dma_start3A_172 = tpu.memref_squeeze %dma_start3A_171 : memref<2x1x128xi32, #tpu.memory_space<hbm>> -> memref<2x128xi32, #tpu.memory_space<hbm>>
      tpu.enqueue_dma source(%dma_start3A_172 : memref<2x128xi32, #tpu.memory_space<hbm>>) target(%arg7 : memref<2x128xi32, #tpu.memory_space<vmem>>) target_semaphore(%arg16 : memref<!tpu.dma_semaphore, #tpu.memory_space<semaphore_mem>>)
    }
    %scan3A_58 = arith.constant 38 : i32
    %dma_wait3A_59 = arith.constant 0 : i32
    %dma_wait3A_60 = arith.constant 0 : i32
    %dma_wait3A_61 = tpu.memref_slice %arg6[%dma_wait3A_59, %dma_wait3A_60] : memref<2x128xi32, #tpu.memory_space<vmem>> -> memref<1x128xi32, #tpu.memory_space<vmem>>
    %dma_wait3A_62 = tpu.memref_squeeze %dma_wait3A_61 : memref<1x128xi32, #tpu.memory_space<vmem>> -> memref<128xi32, #tpu.memory_space<vmem>>
    %dma_wait3A_63 = arith.constant 0 : i32
    %dma_wait3A_64 = arith.constant 0 : i32
    %dma_wait3A_65 = tpu.memref_slice %arg2[%dma_wait3A_63, %dma_wait3A_64] : memref<10000x128xf32, #tpu.memory_space<hbm>> -> memref<10000x128xf32, #tpu.memory_space<hbm>>
    tpu.wait_indirect_dma semaphore(%arg13 : memref<!tpu.dma_semaphore, #tpu.memory_space<semaphore_mem>>) src(%dma_wait3A_65 : memref<10000x128xf32, #tpu.memory_space<hbm>>) dst(%arg8 : memref<128x128xf32, #tpu.memory_space<vmem>>)
    %dma_wait3A_66 = arith.constant 0 : i32
    %dma_wait3A_67 = arith.constant 9856 : i32
    %dma_wait3A_68 = tpu.memref_slice %arg3[%dma_wait3A_66, %add3A, %dma_wait3A_67] : memref<2x32x10000xi32, #tpu.memory_space<hbm>> -> memref<2x1x128xi32, #tpu.memory_space<hbm>>
    %dma_wait3A_69 = tpu.memref_squeeze %dma_wait3A_68 : memref<2x1x128xi32, #tpu.memory_space<hbm>> -> memref<2x128xi32, #tpu.memory_space<hbm>>
    %dma_wait3A_70 = arith.constant 0 : i32
    %dma_wait3A_71 = arith.constant 9856 : i32
    %dma_wait3A_72 = tpu.memref_slice %arg3[%dma_wait3A_70, %add3A, %dma_wait3A_71] : memref<2x32x10000xi32, #tpu.memory_space<hbm>> -> memref<2x1x128xi32, #tpu.memory_space<hbm>>
    %dma_wait3A_73 = tpu.memref_squeeze %dma_wait3A_72 : memref<2x1x128xi32, #tpu.memory_space<hbm>> -> memref<2x128xi32, #tpu.memory_space<hbm>>
    tpu.wait_dma2 semaphore(%arg16 : memref<!tpu.dma_semaphore, #tpu.memory_space<semaphore_mem>>) src(%dma_wait3A_73 : memref<2x128xi32, #tpu.memory_space<hbm>>) dst(%arg7 : memref<2x128xi32, #tpu.memory_space<vmem>>)
    %dma_start3A_74 = arith.constant 0 : i32
    %dma_start3A_75 = arith.constant 0 : i32
    %dma_start3A_76 = tpu.memref_slice %arg7[%dma_start3A_74, %dma_start3A_75] : memref<2x128xi32, #tpu.memory_space<vmem>> -> memref<1x128xi32, #tpu.memory_space<vmem>>
    %dma_start3A_77 = tpu.memref_squeeze %dma_start3A_76 : memref<1x128xi32, #tpu.memory_space<vmem>> -> memref<128xi32, #tpu.memory_space<vmem>>
    %dma_start3A_78 = arith.constant 0 : i32
    %dma_start3A_79 = arith.constant 0 : i32
    %dma_start3A_80 = tpu.memref_slice %arg2[%dma_start3A_78, %dma_start3A_79] : memref<10000x128xf32, #tpu.memory_space<hbm>> -> memref<10000x128xf32, #tpu.memory_space<hbm>>
    tpu.enqueue_indirect_dma source(%dma_start3A_80 : memref<10000x128xf32, #tpu.memory_space<hbm>>) target(%arg9 : memref<128x128xf32, #tpu.memory_space<vmem>>) offsets(%dma_start3A_77 : memref<128xi32, #tpu.memory_space<vmem>>) semaphore(%arg14 : memref<!tpu.dma_semaphore, #tpu.memory_space<semaphore_mem>>)
    %run_scoped3A = arith.constant 1 : i32
    "tpu.region"() ({
      %run_scoped3A_98 = tpu.sem_alloc : memref<!tpu.dma_semaphore, #tpu.memory_space<semaphore_mem>>
      %dma_start3A_99 = arith.constant 0 : i32
      %dma_start3A_100 = tpu.memref_slice %arg6[%run_scoped3A, %dma_start3A_99] : memref<2x128xi32, #tpu.memory_space<vmem>> -> memref<1x128xi32, #tpu.memory_space<vmem>>
      %dma_start3A_101 = tpu.memref_squeeze %dma_start3A_100 : memref<1x128xi32, #tpu.memory_space<vmem>> -> memref<128xi32, #tpu.memory_space<vmem>>
      %dma_start3A_102 = arith.constant 0 : i32
      %dma_start3A_103 = arith.constant 0 : i32
      %dma_start3A_104 = tpu.memref_slice %arg12[%dma_start3A_102, %dma_start3A_103] : memref<10240x128xf32, #tpu.memory_space<vmem_shared>> -> memref<10240x128xf32, #tpu.memory_space<vmem_shared>>
      tpu.enqueue_indirect_dma source(%arg8 : memref<128x128xf32, #tpu.memory_space<vmem>>) target(%dma_start3A_104 : memref<10240x128xf32, #tpu.memory_space<vmem_shared>>) offsets(%dma_start3A_101 : memref<128xi32, #tpu.memory_space<vmem>>) semaphore(%run_scoped3A_98 : memref<!tpu.dma_semaphore, #tpu.memory_space<semaphore_mem>>) {add = true}
      %dma_wait3A_105 = arith.constant 0 : i32
      %dma_wait3A_106 = tpu.memref_slice %arg6[%run_scoped3A, %dma_wait3A_105] : memref<2x128xi32, #tpu.memory_space<vmem>> -> memref<1x128xi32, #tpu.memory_space<vmem>>
      %dma_wait3A_107 = tpu.memref_squeeze %dma_wait3A_106 : memref<1x128xi32, #tpu.memory_space<vmem>> -> memref<128xi32, #tpu.memory_space<vmem>>
      %dma_wait3A_108 = arith.constant 0 : i32
      %dma_wait3A_109 = arith.constant 0 : i32
      %dma_wait3A_110 = tpu.memref_slice %arg12[%dma_wait3A_108, %dma_wait3A_109] : memref<10240x128xf32, #tpu.memory_space<vmem_shared>> -> memref<10240x128xf32, #tpu.memory_space<vmem_shared>>
      tpu.wait_indirect_dma semaphore(%run_scoped3A_98 : memref<!tpu.dma_semaphore, #tpu.memory_space<semaphore_mem>>) src(%arg8 : memref<128x128xf32, #tpu.memory_space<vmem>>) dst(%dma_wait3A_110 : memref<10240x128xf32, #tpu.memory_space<vmem_shared>>)
      tpu.yield
    }) : () -> ()
    %dma_wait3A_81 = arith.constant 0 : i32
    %dma_wait3A_82 = arith.constant 0 : i32
    %dma_wait3A_83 = tpu.memref_slice %arg7[%dma_wait3A_81, %dma_wait3A_82] : memref<2x128xi32, #tpu.memory_space<vmem>> -> memref<1x128xi32, #tpu.memory_space<vmem>>
    %dma_wait3A_84 = tpu.memref_squeeze %dma_wait3A_83 : memref<1x128xi32, #tpu.memory_space<vmem>> -> memref<128xi32, #tpu.memory_space<vmem>>
    %dma_wait3A_85 = arith.constant 0 : i32
    %dma_wait3A_86 = arith.constant 0 : i32
    %dma_wait3A_87 = tpu.memref_slice %arg2[%dma_wait3A_85, %dma_wait3A_86] : memref<10000x128xf32, #tpu.memory_space<hbm>> -> memref<10000x128xf32, #tpu.memory_space<hbm>>
    tpu.wait_indirect_dma semaphore(%arg14 : memref<!tpu.dma_semaphore, #tpu.memory_space<semaphore_mem>>) src(%dma_wait3A_87 : memref<10000x128xf32, #tpu.memory_space<hbm>>) dst(%arg9 : memref<128x128xf32, #tpu.memory_space<vmem>>)
    %run_scoped3A_88 = arith.constant 1 : i32
    "tpu.region"() ({
      %run_scoped3A_98 = tpu.sem_alloc : memref<!tpu.dma_semaphore, #tpu.memory_space<semaphore_mem>>
      %dma_start3A_99 = arith.constant 0 : i32
      %dma_start3A_100 = tpu.memref_slice %arg7[%run_scoped3A_88, %dma_start3A_99] : memref<2x128xi32, #tpu.memory_space<vmem>> -> memref<1x128xi32, #tpu.memory_space<vmem>>
      %dma_start3A_101 = tpu.memref_squeeze %dma_start3A_100 : memref<1x128xi32, #tpu.memory_space<vmem>> -> memref<128xi32, #tpu.memory_space<vmem>>
      %dma_start3A_102 = arith.constant 0 : i32
      %dma_start3A_103 = arith.constant 0 : i32
      %dma_start3A_104 = tpu.memref_slice %arg12[%dma_start3A_102, %dma_start3A_103] : memref<10240x128xf32, #tpu.memory_space<vmem_shared>> -> memref<10240x128xf32, #tpu.memory_space<vmem_shared>>
      tpu.enqueue_indirect_dma source(%arg9 : memref<128x128xf32, #tpu.memory_space<vmem>>) target(%dma_start3A_104 : memref<10240x128xf32, #tpu.memory_space<vmem_shared>>) offsets(%dma_start3A_101 : memref<128xi32, #tpu.memory_space<vmem>>) semaphore(%run_scoped3A_98 : memref<!tpu.dma_semaphore, #tpu.memory_space<semaphore_mem>>) {add = true}
      %dma_wait3A_105 = arith.constant 0 : i32
      %dma_wait3A_106 = tpu.memref_slice %arg7[%run_scoped3A_88, %dma_wait3A_105] : memref<2x128xi32, #tpu.memory_space<vmem>> -> memref<1x128xi32, #tpu.memory_space<vmem>>
      %dma_wait3A_107 = tpu.memref_squeeze %dma_wait3A_106 : memref<1x128xi32, #tpu.memory_space<vmem>> -> memref<128xi32, #tpu.memory_space<vmem>>
      %dma_wait3A_108 = arith.constant 0 : i32
      %dma_wait3A_109 = arith.constant 0 : i32
      %dma_wait3A_110 = tpu.memref_slice %arg12[%dma_wait3A_108, %dma_wait3A_109] : memref<10240x128xf32, #tpu.memory_space<vmem_shared>> -> memref<10240x128xf32, #tpu.memory_space<vmem_shared>>
      tpu.wait_indirect_dma semaphore(%run_scoped3A_98 : memref<!tpu.dma_semaphore, #tpu.memory_space<semaphore_mem>>) src(%arg9 : memref<128x128xf32, #tpu.memory_space<vmem>>) dst(%dma_wait3A_110 : memref<10240x128xf32, #tpu.memory_space<vmem_shared>>)
      tpu.yield
    }) : () -> ()
    %dma_wait3A_89 = arith.constant 0 : i32
    %dma_wait3A_90 = arith.constant 0 : i32
    %dma_wait3A_91 = tpu.memref_slice %arg10[%dma_wait3A_89, %dma_wait3A_90] : memref<2x16xi32, #tpu.memory_space<vmem>> -> memref<1x16xi32, #tpu.memory_space<vmem>>
    %dma_wait3A_92 = tpu.memref_squeeze %dma_wait3A_91 : memref<1x16xi32, #tpu.memory_space<vmem>> -> memref<16xi32, #tpu.memory_space<vmem>>
    %dma_wait3A_93 = arith.constant 0 : i32
    %dma_wait3A_94 = arith.constant 0 : i32
    %dma_wait3A_95 = tpu.memref_slice %arg2[%dma_wait3A_93, %dma_wait3A_94] : memref<10000x128xf32, #tpu.memory_space<hbm>> -> memref<10000x128xf32, #tpu.memory_space<hbm>>
    tpu.wait_indirect_dma semaphore(%arg17 : memref<!tpu.dma_semaphore, #tpu.memory_space<semaphore_mem>>) src(%dma_wait3A_95 : memref<10000x128xf32, #tpu.memory_space<hbm>>) dst(%arg11 : memref<16x128xf32, #tpu.memory_space<vmem>>)
    %run_scoped3A_96 = arith.constant 1 : i32
    "tpu.region"() ({
      %run_scoped3A_98 = tpu.sem_alloc : memref<!tpu.dma_semaphore, #tpu.memory_space<semaphore_mem>>
      %dma_start3A_99 = arith.constant 0 : i32
      %dma_start3A_100 = tpu.memref_slice %arg10[%run_scoped3A_96, %dma_start3A_99] : memref<2x16xi32, #tpu.memory_space<vmem>> -> memref<1x16xi32, #tpu.memory_space<vmem>>
      %dma_start3A_101 = tpu.memref_squeeze %dma_start3A_100 : memref<1x16xi32, #tpu.memory_space<vmem>> -> memref<16xi32, #tpu.memory_space<vmem>>
      %dma_start3A_102 = arith.constant 0 : i32
      %dma_start3A_103 = arith.constant 0 : i32
      %dma_start3A_104 = tpu.memref_slice %arg12[%dma_start3A_102, %dma_start3A_103] : memref<10240x128xf32, #tpu.memory_space<vmem_shared>> -> memref<10240x128xf32, #tpu.memory_space<vmem_shared>>
      tpu.enqueue_indirect_dma source(%arg11 : memref<16x128xf32, #tpu.memory_space<vmem>>) target(%dma_start3A_104 : memref<10240x128xf32, #tpu.memory_space<vmem_shared>>) offsets(%dma_start3A_101 : memref<16xi32, #tpu.memory_space<vmem>>) semaphore(%run_scoped3A_98 : memref<!tpu.dma_semaphore, #tpu.memory_space<semaphore_mem>>) {add = true}
      %dma_wait3A_105 = arith.constant 0 : i32
      %dma_wait3A_106 = tpu.memref_slice %arg10[%run_scoped3A_96, %dma_wait3A_105] : memref<2x16xi32, #tpu.memory_space<vmem>> -> memref<1x16xi32, #tpu.memory_space<vmem>>
      %dma_wait3A_107 = tpu.memref_squeeze %dma_wait3A_106 : memref<1x16xi32, #tpu.memory_space<vmem>> -> memref<16xi32, #tpu.memory_space<vmem>>
      %dma_wait3A_108 = arith.constant 0 : i32
      %dma_wait3A_109 = arith.constant 0 : i32
      %dma_wait3A_110 = tpu.memref_slice %arg12[%dma_wait3A_108, %dma_wait3A_109] : memref<10240x128xf32, #tpu.memory_space<vmem_shared>> -> memref<10240x128xf32, #tpu.memory_space<vmem_shared>>
      tpu.wait_indirect_dma semaphore(%run_scoped3A_98 : memref<!tpu.dma_semaphore, #tpu.memory_space<semaphore_mem>>) src(%arg11 : memref<16x128xf32, #tpu.memory_space<vmem>>) dst(%dma_wait3A_110 : memref<10240x128xf32, #tpu.memory_space<vmem_shared>>)
      tpu.yield
    }) : () -> ()
    %barrier3A_97 = arith.constant 0 : index
    tpu.barrier barrier_id(%barrier3A_97)
    "tpu.region"() ({
      %run_scoped3A_98 = tpu.sem_alloc : memref<!tpu.dma_semaphore, #tpu.memory_space<semaphore_mem>>
      %dma_start3A_99 = arith.constant 0 : i32
      %dma_start3A_100 = tpu.memref_slice %arg5[%arg0, %mul3A_2, %dma_start3A_99] : memref<2x10240x128xf32, #tpu.memory_space<hbm>> -> memref<1x640x128xf32, #tpu.memory_space<hbm>>
      %dma_start3A_101 = tpu.memref_squeeze %dma_start3A_100 : memref<1x640x128xf32, #tpu.memory_space<hbm>> -> memref<640x128xf32, #tpu.memory_space<hbm>>
      %dma_start3A_102 = arith.constant 0 : i32
      %dma_start3A_103 = tpu.memref_slice %arg12[%mul3A_2, %dma_start3A_102] : memref<10240x128xf32, #tpu.memory_space<vmem_shared>> -> memref<640x128xf32, #tpu.memory_space<vmem_shared>>
      tpu.enqueue_dma source(%dma_start3A_103 : memref<640x128xf32, #tpu.memory_space<vmem_shared>>) target(%dma_start3A_101 : memref<640x128xf32, #tpu.memory_space<hbm>>) target_semaphore(%run_scoped3A_98 : memref<!tpu.dma_semaphore, #tpu.memory_space<semaphore_mem>>)
      %dma_wait3A_104 = arith.constant 0 : i32
      %dma_wait3A_105 = tpu.memref_slice %arg5[%arg0, %mul3A_2, %dma_wait3A_104] : memref<2x10240x128xf32, #tpu.memory_space<hbm>> -> memref<1x640x128xf32, #tpu.memory_space<hbm>>
      %dma_wait3A_106 = tpu.memref_squeeze %dma_wait3A_105 : memref<1x640x128xf32, #tpu.memory_space<hbm>> -> memref<640x128xf32, #tpu.memory_space<hbm>>
      %dma_wait3A_107 = arith.constant 0 : i32
      %dma_wait3A_108 = tpu.memref_slice %arg12[%mul3A_2, %dma_wait3A_107] : memref<10240x128xf32, #tpu.memory_space<vmem_shared>> -> memref<640x128xf32, #tpu.memory_space<vmem_shared>>
      tpu.wait_dma2 semaphore(%run_scoped3A_98 : memref<!tpu.dma_semaphore, #tpu.memory_space<semaphore_mem>>) src(%dma_wait3A_108 : memref<640x128xf32, #tpu.memory_space<vmem_shared>>) dst(%dma_wait3A_106 : memref<640x128xf32, #tpu.memory_space<hbm>>)
      tpu.yield
    }) : () -> ()
    return
  }
}

#map = affine_map<(d0, d1) -> (0, 0)>
#map1 = affine_map<(d0, d1) -> (0, 0, 0)>
module attributes {stable_mosaic.version = 14 : i64} {
  func.func @agg_kernel(%arg0: i32, %arg1: i32, %arg2: memref<10000x128xf32, #tpu.memory_space<hbm>>, %arg3: memref<2x32x10000xi32, #tpu.memory_space<hbm>>, %arg4: memref<10240x128xf32, #tpu.memory_space<hbm>>, %arg5: memref<2x10240x128xf32, #tpu.memory_space<hbm>>, %arg6: memref<2x128xi32, #tpu.memory_space<vmem>>, %arg7: memref<2x128xi32, #tpu.memory_space<vmem>>, %arg8: memref<128x128xf32, #tpu.memory_space<vmem>>, %arg9: memref<128x128xf32, #tpu.memory_space<vmem>>, %arg10: memref<2x16xi32, #tpu.memory_space<vmem>>, %arg11: memref<16x128xf32, #tpu.memory_space<vmem>>, %arg12: memref<10240x128xf32, #tpu.memory_space<vmem_shared>>, %arg13: memref<!tpu.dma_semaphore, #tpu.memory_space<semaphore_mem>>, %arg14: memref<!tpu.dma_semaphore, #tpu.memory_space<semaphore_mem>>, %arg15: memref<!tpu.dma_semaphore, #tpu.memory_space<semaphore_mem>>, %arg16: memref<!tpu.dma_semaphore, #tpu.memory_space<semaphore_mem>>, %arg17: memref<!tpu.dma_semaphore, #tpu.memory_space<semaphore_mem>>) attributes {dimension_semantics = [#tpu.dimension_semantics<core_parallel>, #tpu.dimension_semantics<subcore_parallel>], iteration_bounds = array<i64: 2, 16>, scalar_prefetch = 0 : i64, scratch_operands = 12 : i64, tpu.core_type = #tpu.core_type<sc_vector_subcore>, window_params = [{transform_indices = #map}, {transform_indices = #map1}, {transform_indices = #map}, {transform_indices = #map1}]} {
    %mul3A = arith.constant 16 : i32
    %mul3A_0 = arith.muli %arg0, %mul3A : i32
    %add3A = arith.addi %mul3A_0, %arg1 : i32
    %mul3A_1 = arith.constant 640 : i32
    %mul3A_2 = arith.muli %arg1, %mul3A_1 : i32
    %dma_start3A = arith.constant 0 : i32
    %dma_start3A_3 = arith.constant 0 : i32
    %dma_start3A_4 = tpu.memref_slice %arg3[%dma_start3A, %add3A, %dma_start3A_3] : memref<2x32x10000xi32, #tpu.memory_space<hbm>> -> memref<2x1x128xi32, #tpu.memory_space<hbm>>
    %dma_start3A_5 = tpu.memref_squeeze %dma_start3A_4 : memref<2x1x128xi32, #tpu.memory_space<hbm>> -> memref<2x128xi32, #tpu.memory_space<hbm>>
    %dma_start3A_6 = arith.constant 0 : i32
    %dma_start3A_7 = arith.constant 0 : i32
    %dma_start3A_8 = tpu.memref_slice %arg3[%dma_start3A_6, %add3A, %dma_start3A_7] : memref<2x32x10000xi32, #tpu.memory_space<hbm>> -> memref<2x1x128xi32, #tpu.memory_space<hbm>>
    %dma_start3A_9 = tpu.memref_squeeze %dma_start3A_8 : memref<2x1x128xi32, #tpu.memory_space<hbm>> -> memref<2x128xi32, #tpu.memory_space<hbm>>
    tpu.enqueue_dma source(%dma_start3A_9 : memref<2x128xi32, #tpu.memory_space<hbm>>) target(%arg6 : memref<2x128xi32, #tpu.memory_space<vmem>>) target_semaphore(%arg15 : memref<!tpu.dma_semaphore, #tpu.memory_space<semaphore_mem>>)
    %dma_start3A_10 = arith.constant 0 : i32
    %dma_start3A_11 = arith.constant 9984 : i32
    %dma_start3A_12 = tpu.memref_slice %arg3[%dma_start3A_10, %add3A, %dma_start3A_11] : memref<2x32x10000xi32, #tpu.memory_space<hbm>> -> memref<2x1x16xi32, #tpu.memory_space<hbm>>
    %dma_start3A_13 = tpu.memref_squeeze %dma_start3A_12 : memref<2x1x16xi32, #tpu.memory_space<hbm>> -> memref<2x16xi32, #tpu.memory_space<hbm>>
    %dma_start3A_14 = arith.constant 0 : i32
    %dma_start3A_15 = arith.constant 9984 : i32
    %dma_start3A_16 = tpu.memref_slice %arg3[%dma_start3A_14, %add3A, %dma_start3A_15] : memref<2x32x10000xi32, #tpu.memory_space<hbm>> -> memref<2x1x16xi32, #tpu.memory_space<hbm>>
    %dma_start3A_17 = tpu.memref_squeeze %dma_start3A_16 : memref<2x1x16xi32, #tpu.memory_space<hbm>> -> memref<2x16xi32, #tpu.memory_space<hbm>>
    tpu.enqueue_dma source(%dma_start3A_17 : memref<2x16xi32, #tpu.memory_space<hbm>>) target(%arg10 : memref<2x16xi32, #tpu.memory_space<vmem>>) target_semaphore(%arg17 : memref<!tpu.dma_semaphore, #tpu.memory_space<semaphore_mem>>)
    %dma_wait3A = arith.constant 0 : i32
    %dma_wait3A_18 = arith.constant 0 : i32
    %dma_wait3A_19 = tpu.memref_slice %arg3[%dma_wait3A, %add3A, %dma_wait3A_18] : memref<2x32x10000xi32, #tpu.memory_space<hbm>> -> memref<2x1x128xi32, #tpu.memory_space<hbm>>
    %dma_wait3A_20 = tpu.memref_squeeze %dma_wait3A_19 : memref<2x1x128xi32, #tpu.memory_space<hbm>> -> memref<2x128xi32, #tpu.memory_space<hbm>>
    %dma_wait3A_21 = arith.constant 0 : i32
    %dma_wait3A_22 = arith.constant 0 : i32
    %dma_wait3A_23 = tpu.memref_slice %arg3[%dma_wait3A_21, %add3A, %dma_wait3A_22] : memref<2x32x10000xi32, #tpu.memory_space<hbm>> -> memref<2x1x128xi32, #tpu.memory_space<hbm>>
    %dma_wait3A_24 = tpu.memref_squeeze %dma_wait3A_23 : memref<2x1x128xi32, #tpu.memory_space<hbm>> -> memref<2x128xi32, #tpu.memory_space<hbm>>
    tpu.wait_dma2 semaphore(%arg15 : memref<!tpu.dma_semaphore, #tpu.memory_space<semaphore_mem>>) src(%dma_wait3A_24 : memref<2x128xi32, #tpu.memory_space<hbm>>) dst(%arg6 : memref<2x128xi32, #tpu.memory_space<vmem>>)
    %dma_start3A_25 = arith.constant 0 : i32
    %dma_start3A_26 = arith.constant 0 : i32
    %dma_start3A_27 = tpu.memref_slice %arg6[%dma_start3A_25, %dma_start3A_26] : memref<2x128xi32, #tpu.memory_space<vmem>> -> memref<1x128xi32, #tpu.memory_space<vmem>>
    %dma_start3A_28 = tpu.memref_squeeze %dma_start3A_27 : memref<1x128xi32, #tpu.memory_space<vmem>> -> memref<128xi32, #tpu.memory_space<vmem>>
    %dma_start3A_29 = arith.constant 0 : i32
    %dma_start3A_30 = arith.constant 0 : i32
    %dma_start3A_31 = tpu.memref_slice %arg2[%dma_start3A_29, %dma_start3A_30] : memref<10000x128xf32, #tpu.memory_space<hbm>> -> memref<10000x128xf32, #tpu.memory_space<hbm>>
    tpu.enqueue_indirect_dma source(%dma_start3A_31 : memref<10000x128xf32, #tpu.memory_space<hbm>>) target(%arg8 : memref<128x128xf32, #tpu.memory_space<vmem>>) offsets(%dma_start3A_28 : memref<128xi32, #tpu.memory_space<vmem>>) semaphore(%arg13 : memref<!tpu.dma_semaphore, #tpu.memory_space<semaphore_mem>>)
    %dma_start3A_32 = arith.constant 0 : i32
    %dma_start3A_33 = arith.constant 128 : i32
    %dma_start3A_34 = tpu.memref_slice %arg3[%dma_start3A_32, %add3A, %dma_start3A_33] : memref<2x32x10000xi32, #tpu.memory_space<hbm>> -> memref<2x1x128xi32, #tpu.memory_space<hbm>>
    %dma_start3A_35 = tpu.memref_squeeze %dma_start3A_34 : memref<2x1x128xi32, #tpu.memory_space<hbm>> -> memref<2x128xi32, #tpu.memory_space<hbm>>
    %dma_start3A_36 = arith.constant 0 : i32
    %dma_start3A_37 = arith.constant 128 : i32
    %dma_start3A_38 = tpu.memref_slice %arg3[%dma_start3A_36, %add3A, %dma_start3A_37] : memref<2x32x10000xi32, #tpu.memory_space<hbm>> -> memref<2x1x128xi32, #tpu.memory_space<hbm>>
    %dma_start3A_39 = tpu.memref_squeeze %dma_start3A_38 : memref<2x1x128xi32, #tpu.memory_space<hbm>> -> memref<2x128xi32, #tpu.memory_space<hbm>>
    tpu.enqueue_dma source(%dma_start3A_39 : memref<2x128xi32, #tpu.memory_space<hbm>>) target(%arg7 : memref<2x128xi32, #tpu.memory_space<vmem>>) target_semaphore(%arg16 : memref<!tpu.dma_semaphore, #tpu.memory_space<semaphore_mem>>)
    %dma_wait3A_40 = arith.constant 0 : i32
    %dma_wait3A_41 = arith.constant 9984 : i32
    %dma_wait3A_42 = tpu.memref_slice %arg3[%dma_wait3A_40, %add3A, %dma_wait3A_41] : memref<2x32x10000xi32, #tpu.memory_space<hbm>> -> memref<2x1x16xi32, #tpu.memory_space<hbm>>
    %dma_wait3A_43 = tpu.memref_squeeze %dma_wait3A_42 : memref<2x1x16xi32, #tpu.memory_space<hbm>> -> memref<2x16xi32, #tpu.memory_space<hbm>>
    %dma_wait3A_44 = arith.constant 0 : i32
    %dma_wait3A_45 = arith.constant 9984 : i32
    %dma_wait3A_46 = tpu.memref_slice %arg3[%dma_wait3A_44, %add3A, %dma_wait3A_45] : memref<2x32x10000xi32, #tpu.memory_space<hbm>> -> memref<2x1x16xi32, #tpu.memory_space<hbm>>
    %dma_wait3A_47 = tpu.memref_squeeze %dma_wait3A_46 : memref<2x1x16xi32, #tpu.memory_space<hbm>> -> memref<2x16xi32, #tpu.memory_space<hbm>>
    tpu.wait_dma2 semaphore(%arg17 : memref<!tpu.dma_semaphore, #tpu.memory_space<semaphore_mem>>) src(%dma_wait3A_47 : memref<2x16xi32, #tpu.memory_space<hbm>>) dst(%arg10 : memref<2x16xi32, #tpu.memory_space<vmem>>)
    %dma_start3A_48 = arith.constant 0 : i32
    %dma_start3A_49 = arith.constant 0 : i32
    %dma_start3A_50 = tpu.memref_slice %arg10[%dma_start3A_48, %dma_start3A_49] : memref<2x16xi32, #tpu.memory_space<vmem>> -> memref<1x16xi32, #tpu.memory_space<vmem>>
    %dma_start3A_51 = tpu.memref_squeeze %dma_start3A_50 : memref<1x16xi32, #tpu.memory_space<vmem>> -> memref<16xi32, #tpu.memory_space<vmem>>
    %dma_start3A_52 = arith.constant 0 : i32
    %dma_start3A_53 = arith.constant 0 : i32
    %dma_start3A_54 = tpu.memref_slice %arg2[%dma_start3A_52, %dma_start3A_53] : memref<10000x128xf32, #tpu.memory_space<hbm>> -> memref<10000x128xf32, #tpu.memory_space<hbm>>
    tpu.enqueue_indirect_dma source(%dma_start3A_54 : memref<10000x128xf32, #tpu.memory_space<hbm>>) target(%arg11 : memref<16x128xf32, #tpu.memory_space<vmem>>) offsets(%dma_start3A_51 : memref<16xi32, #tpu.memory_space<vmem>>) semaphore(%arg17 : memref<!tpu.dma_semaphore, #tpu.memory_space<semaphore_mem>>)
    "tpu.region"() ({
      %run_scoped3A_98 = tpu.sem_alloc : memref<!tpu.dma_semaphore, #tpu.memory_space<semaphore_mem>>
      %dma_start3A_99 = arith.constant 0 : i32
      %dma_start3A_100 = tpu.memref_slice %arg12[%mul3A_2, %dma_start3A_99] : memref<10240x128xf32, #tpu.memory_space<vmem_shared>> -> memref<640x128xf32, #tpu.memory_space<vmem_shared>>
      %dma_start3A_101 = arith.constant 0 : i32
      %dma_start3A_102 = tpu.memref_slice %arg4[%mul3A_2, %dma_start3A_101] : memref<10240x128xf32, #tpu.memory_space<hbm>> -> memref<640x128xf32, #tpu.memory_space<hbm>>
      tpu.enqueue_dma source(%dma_start3A_102 : memref<640x128xf32, #tpu.memory_space<hbm>>) target(%dma_start3A_100 : memref<640x128xf32, #tpu.memory_space<vmem_shared>>) target_semaphore(%run_scoped3A_98 : memref<!tpu.dma_semaphore, #tpu.memory_space<semaphore_mem>>)
      %dma_wait3A_103 = arith.constant 0 : i32
      %dma_wait3A_104 = tpu.memref_slice %arg12[%mul3A_2, %dma_wait3A_103] : memref<10240x128xf32, #tpu.memory_space<vmem_shared>> -> memref<640x128xf32, #tpu.memory_space<vmem_shared>>
      %dma_wait3A_105 = arith.constant 0 : i32
      %dma_wait3A_106 = tpu.memref_slice %arg4[%mul3A_2, %dma_wait3A_105] : memref<10240x128xf32, #tpu.memory_space<hbm>> -> memref<640x128xf32, #tpu.memory_space<hbm>>
      tpu.wait_dma2 semaphore(%run_scoped3A_98 : memref<!tpu.dma_semaphore, #tpu.memory_space<semaphore_mem>>) src(%dma_wait3A_106 : memref<640x128xf32, #tpu.memory_space<hbm>>) dst(%dma_wait3A_104 : memref<640x128xf32, #tpu.memory_space<vmem_shared>>)
      tpu.yield
    }) : () -> ()
    %barrier3A = arith.constant 0 : index
    tpu.barrier barrier_id(%barrier3A)
    %scan3A = arith.constant 0 : i32
    %scan3A_55 = arith.constant 38 : i32
    %scan3A_56 = arith.addi %scan3A, %scan3A_55 : i32
    %scan3A_57 = arith.constant 1 : i32
    scf.for %scan3A_98 = %scan3A to %scan3A_56 step %scan3A_57  : i32 {
      %mul3A_99 = arith.constant 2 : i32
      %mul3A_100 = arith.muli %scan3A_98, %mul3A_99 : i32
      %add3A_101 = arith.constant 0 : i32
      %add3A_102 = arith.addi %add3A_101, %mul3A_100 : i32
      %dma_wait3A_103 = arith.constant 0 : i32
      %dma_wait3A_104 = arith.constant 0 : i32
      %dma_wait3A_105 = tpu.memref_slice %arg6[%dma_wait3A_103, %dma_wait3A_104] : memref<2x128xi32, #tpu.memory_space<vmem>> -> memref<1x128xi32, #tpu.memory_space<vmem>>
      %dma_wait3A_106 = tpu.memref_squeeze %dma_wait3A_105 : memref<1x128xi32, #tpu.memory_space<vmem>> -> memref<128xi32, #tpu.memory_space<vmem>>
      %dma_wait3A_107 = arith.constant 0 : i32
      %dma_wait3A_108 = arith.constant 0 : i32
      %dma_wait3A_109 = tpu.memref_slice %arg2[%dma_wait3A_107, %dma_wait3A_108] : memref<10000x128xf32, #tpu.memory_space<hbm>> -> memref<10000x128xf32, #tpu.memory_space<hbm>>
      tpu.wait_indirect_dma semaphore(%arg13 : memref<!tpu.dma_semaphore, #tpu.memory_space<semaphore_mem>>) src(%dma_wait3A_109 : memref<10000x128xf32, #tpu.memory_space<hbm>>) dst(%arg8 : memref<128x128xf32, #tpu.memory_space<vmem>>)
      %add3A_110 = arith.constant 1 : i32
      %add3A_111 = arith.addi %add3A_102, %add3A_110 : i32
      %mul3A_112 = arith.constant 128 : i32
      %mul3A_113 = arith.muli %add3A_111, %mul3A_112 : i32
      %dma_wait3A_114 = arith.constant 0 : i32
      %dma_wait3A_115 = tpu.memref_slice %arg3[%dma_wait3A_114, %add3A, %mul3A_113] : memref<2x32x10000xi32, #tpu.memory_space<hbm>> -> memref<2x1x128xi32, #tpu.memory_space<hbm>>
      %dma_wait3A_116 = tpu.memref_squeeze %dma_wait3A_115 : memref<2x1x128xi32, #tpu.memory_space<hbm>> -> memref<2x128xi32, #tpu.memory_space<hbm>>
      %dma_wait3A_117 = arith.constant 0 : i32
      %dma_wait3A_118 = tpu.memref_slice %arg3[%dma_wait3A_117, %add3A, %mul3A_113] : memref<2x32x10000xi32, #tpu.memory_space<hbm>> -> memref<2x1x128xi32, #tpu.memory_space<hbm>>
      %dma_wait3A_119 = tpu.memref_squeeze %dma_wait3A_118 : memref<2x1x128xi32, #tpu.memory_space<hbm>> -> memref<2x128xi32, #tpu.memory_space<hbm>>
      tpu.wait_dma2 semaphore(%arg16 : memref<!tpu.dma_semaphore, #tpu.memory_space<semaphore_mem>>) src(%dma_wait3A_119 : memref<2x128xi32, #tpu.memory_space<hbm>>) dst(%arg7 : memref<2x128xi32, #tpu.memory_space<vmem>>)
      %dma_start3A_120 = arith.constant 0 : i32
      %dma_start3A_121 = arith.constant 0 : i32
      %dma_start3A_122 = tpu.memref_slice %arg7[%dma_start3A_120, %dma_start3A_121] : memref<2x128xi32, #tpu.memory_space<vmem>> -> memref<1x128xi32, #tpu.memory_space<vmem>>
      %dma_start3A_123 = tpu.memref_squeeze %dma_start3A_122 : memref<1x128xi32, #tpu.memory_space<vmem>> -> memref<128xi32, #tpu.memory_space<vmem>>
      %dma_start3A_124 = arith.constant 0 : i32
      %dma_start3A_125 = arith.constant 0 : i32
      %dma_start3A_126 = tpu.memref_slice %arg2[%dma_start3A_124, %dma_start3A_125] : memref<10000x128xf32, #tpu.memory_space<hbm>> -> memref<10000x128xf32, #tpu.memory_space<hbm>>
      tpu.enqueue_indirect_dma source(%dma_start3A_126 : memref<10000x128xf32, #tpu.memory_space<hbm>>) target(%arg9 : memref<128x128xf32, #tpu.memory_space<vmem>>) offsets(%dma_start3A_123 : memref<128xi32, #tpu.memory_space<vmem>>) semaphore(%arg14 : memref<!tpu.dma_semaphore, #tpu.memory_space<semaphore_mem>>)
      %run_scoped3A_127 = arith.constant 1 : i32
      "tpu.region"() ({
        %run_scoped3A_173 = tpu.sem_alloc : memref<!tpu.dma_semaphore, #tpu.memory_space<semaphore_mem>>
        %dma_start3A_174 = arith.constant 0 : i32
        %dma_start3A_175 = tpu.memref_slice %arg6[%run_scoped3A_127, %dma_start3A_174] : memref<2x128xi32, #tpu.memory_space<vmem>> -> memref<1x128xi32, #tpu.memory_space<vmem>>
        %dma_start3A_176 = tpu.memref_squeeze %dma_start3A_175 : memref<1x128xi32, #tpu.memory_space<vmem>> -> memref<128xi32, #tpu.memory_space<vmem>>
        %dma_start3A_177 = arith.constant 0 : i32
        %dma_start3A_178 = arith.constant 0 : i32
        %dma_start3A_179 = tpu.memref_slice %arg12[%dma_start3A_177, %dma_start3A_178] : memref<10240x128xf32, #tpu.memory_space<vmem_shared>> -> memref<10240x128xf32, #tpu.memory_space<vmem_shared>>
        tpu.enqueue_indirect_dma source(%arg8 : memref<128x128xf32, #tpu.memory_space<vmem>>) target(%dma_start3A_179 : memref<10240x128xf32, #tpu.memory_space<vmem_shared>>) offsets(%dma_start3A_176 : memref<128xi32, #tpu.memory_space<vmem>>) semaphore(%run_scoped3A_173 : memref<!tpu.dma_semaphore, #tpu.memory_space<semaphore_mem>>) {add = true}
        %dma_wait3A_180 = arith.constant 0 : i32
        %dma_wait3A_181 = tpu.memref_slice %arg6[%run_scoped3A_127, %dma_wait3A_180] : memref<2x128xi32, #tpu.memory_space<vmem>> -> memref<1x128xi32, #tpu.memory_space<vmem>>
        %dma_wait3A_182 = tpu.memref_squeeze %dma_wait3A_181 : memref<1x128xi32, #tpu.memory_space<vmem>> -> memref<128xi32, #tpu.memory_space<vmem>>
        %dma_wait3A_183 = arith.constant 0 : i32
        %dma_wait3A_184 = arith.constant 0 : i32
        %dma_wait3A_185 = tpu.memref_slice %arg12[%dma_wait3A_183, %dma_wait3A_184] : memref<10240x128xf32, #tpu.memory_space<vmem_shared>> -> memref<10240x128xf32, #tpu.memory_space<vmem_shared>>
        tpu.wait_indirect_dma semaphore(%run_scoped3A_173 : memref<!tpu.dma_semaphore, #tpu.memory_space<semaphore_mem>>) src(%arg8 : memref<128x128xf32, #tpu.memory_space<vmem>>) dst(%dma_wait3A_185 : memref<10240x128xf32, #tpu.memory_space<vmem_shared>>)
        tpu.yield
      }) : () -> ()
      %add3A_128 = arith.constant 2 : i32
      %add3A_129 = arith.addi %add3A_102, %add3A_128 : i32
      %mul3A_130 = arith.constant 128 : i32
      %mul3A_131 = arith.muli %add3A_129, %mul3A_130 : i32
      %dma_start3A_132 = arith.constant 0 : i32
      %dma_start3A_133 = tpu.memref_slice %arg3[%dma_start3A_132, %add3A, %mul3A_131] : memref<2x32x10000xi32, #tpu.memory_space<hbm>> -> memref<2x1x128xi32, #tpu.memory_space<hbm>>
      %dma_start3A_134 = tpu.memref_squeeze %dma_start3A_133 : memref<2x1x128xi32, #tpu.memory_space<hbm>> -> memref<2x128xi32, #tpu.memory_space<hbm>>
      %dma_start3A_135 = arith.constant 0 : i32
      %dma_start3A_136 = tpu.memref_slice %arg3[%dma_start3A_135, %add3A, %mul3A_131] : memref<2x32x10000xi32, #tpu.memory_space<hbm>> -> memref<2x1x128xi32, #tpu.memory_space<hbm>>
      %dma_start3A_137 = tpu.memref_squeeze %dma_start3A_136 : memref<2x1x128xi32, #tpu.memory_space<hbm>> -> memref<2x128xi32, #tpu.memory_space<hbm>>
      tpu.enqueue_dma source(%dma_start3A_137 : memref<2x128xi32, #tpu.memory_space<hbm>>) target(%arg6 : memref<2x128xi32, #tpu.memory_space<vmem>>) target_semaphore(%arg15 : memref<!tpu.dma_semaphore, #tpu.memory_space<semaphore_mem>>)
      %dma_wait3A_138 = arith.constant 0 : i32
      %dma_wait3A_139 = arith.constant 0 : i32
      %dma_wait3A_140 = tpu.memref_slice %arg7[%dma_wait3A_138, %dma_wait3A_139] : memref<2x128xi32, #tpu.memory_space<vmem>> -> memref<1x128xi32, #tpu.memory_space<vmem>>
      %dma_wait3A_141 = tpu.memref_squeeze %dma_wait3A_140 : memref<1x128xi32, #tpu.memory_space<vmem>> -> memref<128xi32, #tpu.memory_space<vmem>>
      %dma_wait3A_142 = arith.constant 0 : i32
      %dma_wait3A_143 = arith.constant 0 : i32
      %dma_wait3A_144 = tpu.memref_slice %arg2[%dma_wait3A_142, %dma_wait3A_143] : memref<10000x128xf32, #tpu.memory_space<hbm>> -> memref<10000x128xf32, #tpu.memory_space<hbm>>
      tpu.wait_indirect_dma semaphore(%arg14 : memref<!tpu.dma_semaphore, #tpu.memory_space<semaphore_mem>>) src(%dma_wait3A_144 : memref<10000x128xf32, #tpu.memory_space<hbm>>) dst(%arg9 : memref<128x128xf32, #tpu.memory_space<vmem>>)
      %add3A_145 = arith.constant 2 : i32
      %add3A_146 = arith.addi %add3A_102, %add3A_145 : i32
      %mul3A_147 = arith.constant 128 : i32
      %mul3A_148 = arith.muli %add3A_146, %mul3A_147 : i32
      %dma_wait3A_149 = arith.constant 0 : i32
      %dma_wait3A_150 = tpu.memref_slice %arg3[%dma_wait3A_149, %add3A, %mul3A_148] : memref<2x32x10000xi32, #tpu.memory_space<hbm>> -> memref<2x1x128xi32, #tpu.memory_space<hbm>>
      %dma_wait3A_151 = tpu.memref_squeeze %dma_wait3A_150 : memref<2x1x128xi32, #tpu.memory_space<hbm>> -> memref<2x128xi32, #tpu.memory_space<hbm>>
      %dma_wait3A_152 = arith.constant 0 : i32
      %dma_wait3A_153 = tpu.memref_slice %arg3[%dma_wait3A_152, %add3A, %mul3A_148] : memref<2x32x10000xi32, #tpu.memory_space<hbm>> -> memref<2x1x128xi32, #tpu.memory_space<hbm>>
      %dma_wait3A_154 = tpu.memref_squeeze %dma_wait3A_153 : memref<2x1x128xi32, #tpu.memory_space<hbm>> -> memref<2x128xi32, #tpu.memory_space<hbm>>
      tpu.wait_dma2 semaphore(%arg15 : memref<!tpu.dma_semaphore, #tpu.memory_space<semaphore_mem>>) src(%dma_wait3A_154 : memref<2x128xi32, #tpu.memory_space<hbm>>) dst(%arg6 : memref<2x128xi32, #tpu.memory_space<vmem>>)
      %dma_start3A_155 = arith.constant 0 : i32
      %dma_start3A_156 = arith.constant 0 : i32
      %dma_start3A_157 = tpu.memref_slice %arg6[%dma_start3A_155, %dma_start3A_156] : memref<2x128xi32, #tpu.memory_space<vmem>> -> memref<1x128xi32, #tpu.memory_space<vmem>>
      %dma_start3A_158 = tpu.memref_squeeze %dma_start3A_157 : memref<1x128xi32, #tpu.memory_space<vmem>> -> memref<128xi32, #tpu.memory_space<vmem>>
      %dma_start3A_159 = arith.constant 0 : i32
      %dma_start3A_160 = arith.constant 0 : i32
      %dma_start3A_161 = tpu.memref_slice %arg2[%dma_start3A_159, %dma_start3A_160] : memref<10000x128xf32, #tpu.memory_space<hbm>> -> memref<10000x128xf32, #tpu.memory_space<hbm>>
      tpu.enqueue_indirect_dma source(%dma_start3A_161 : memref<10000x128xf32, #tpu.memory_space<hbm>>) target(%arg8 : memref<128x128xf32, #tpu.memory_space<vmem>>) offsets(%dma_start3A_158 : memref<128xi32, #tpu.memory_space<vmem>>) semaphore(%arg13 : memref<!tpu.dma_semaphore, #tpu.memory_space<semaphore_mem>>)
      %run_scoped3A_162 = arith.constant 1 : i32
      "tpu.region"() ({
        %run_scoped3A_173 = tpu.sem_alloc : memref<!tpu.dma_semaphore, #tpu.memory_space<semaphore_mem>>
        %dma_start3A_174 = arith.constant 0 : i32
        %dma_start3A_175 = tpu.memref_slice %arg7[%run_scoped3A_162, %dma_start3A_174] : memref<2x128xi32, #tpu.memory_space<vmem>> -> memref<1x128xi32, #tpu.memory_space<vmem>>
        %dma_start3A_176 = tpu.memref_squeeze %dma_start3A_175 : memref<1x128xi32, #tpu.memory_space<vmem>> -> memref<128xi32, #tpu.memory_space<vmem>>
        %dma_start3A_177 = arith.constant 0 : i32
        %dma_start3A_178 = arith.constant 0 : i32
        %dma_start3A_179 = tpu.memref_slice %arg12[%dma_start3A_177, %dma_start3A_178] : memref<10240x128xf32, #tpu.memory_space<vmem_shared>> -> memref<10240x128xf32, #tpu.memory_space<vmem_shared>>
        tpu.enqueue_indirect_dma source(%arg9 : memref<128x128xf32, #tpu.memory_space<vmem>>) target(%dma_start3A_179 : memref<10240x128xf32, #tpu.memory_space<vmem_shared>>) offsets(%dma_start3A_176 : memref<128xi32, #tpu.memory_space<vmem>>) semaphore(%run_scoped3A_173 : memref<!tpu.dma_semaphore, #tpu.memory_space<semaphore_mem>>) {add = true}
        %dma_wait3A_180 = arith.constant 0 : i32
        %dma_wait3A_181 = tpu.memref_slice %arg7[%run_scoped3A_162, %dma_wait3A_180] : memref<2x128xi32, #tpu.memory_space<vmem>> -> memref<1x128xi32, #tpu.memory_space<vmem>>
        %dma_wait3A_182 = tpu.memref_squeeze %dma_wait3A_181 : memref<1x128xi32, #tpu.memory_space<vmem>> -> memref<128xi32, #tpu.memory_space<vmem>>
        %dma_wait3A_183 = arith.constant 0 : i32
        %dma_wait3A_184 = arith.constant 0 : i32
        %dma_wait3A_185 = tpu.memref_slice %arg12[%dma_wait3A_183, %dma_wait3A_184] : memref<10240x128xf32, #tpu.memory_space<vmem_shared>> -> memref<10240x128xf32, #tpu.memory_space<vmem_shared>>
        tpu.wait_indirect_dma semaphore(%run_scoped3A_173 : memref<!tpu.dma_semaphore, #tpu.memory_space<semaphore_mem>>) src(%arg9 : memref<128x128xf32, #tpu.memory_space<vmem>>) dst(%dma_wait3A_185 : memref<10240x128xf32, #tpu.memory_space<vmem_shared>>)
        tpu.yield
      }) : () -> ()
      %add3A_163 = arith.constant 3 : i32
      %add3A_164 = arith.addi %add3A_102, %add3A_163 : i32
      %mul3A_165 = arith.constant 128 : i32
      %mul3A_166 = arith.muli %add3A_164, %mul3A_165 : i32
      %dma_start3A_167 = arith.constant 0 : i32
      %dma_start3A_168 = tpu.memref_slice %arg3[%dma_start3A_167, %add3A, %mul3A_166] : memref<2x32x10000xi32, #tpu.memory_space<hbm>> -> memref<2x1x128xi32, #tpu.memory_space<hbm>>
      %dma_start3A_169 = tpu.memref_squeeze %dma_start3A_168 : memref<2x1x128xi32, #tpu.memory_space<hbm>> -> memref<2x128xi32, #tpu.memory_space<hbm>>
      %dma_start3A_170 = arith.constant 0 : i32
      %dma_start3A_171 = tpu.memref_slice %arg3[%dma_start3A_170, %add3A, %mul3A_166] : memref<2x32x10000xi32, #tpu.memory_space<hbm>> -> memref<2x1x128xi32, #tpu.memory_space<hbm>>
      %dma_start3A_172 = tpu.memref_squeeze %dma_start3A_171 : memref<2x1x128xi32, #tpu.memory_space<hbm>> -> memref<2x128xi32, #tpu.memory_space<hbm>>
      tpu.enqueue_dma source(%dma_start3A_172 : memref<2x128xi32, #tpu.memory_space<hbm>>) target(%arg7 : memref<2x128xi32, #tpu.memory_space<vmem>>) target_semaphore(%arg16 : memref<!tpu.dma_semaphore, #tpu.memory_space<semaphore_mem>>)
    }
    %scan3A_58 = arith.constant 38 : i32
    %dma_wait3A_59 = arith.constant 0 : i32
    %dma_wait3A_60 = arith.constant 0 : i32
    %dma_wait3A_61 = tpu.memref_slice %arg6[%dma_wait3A_59, %dma_wait3A_60] : memref<2x128xi32, #tpu.memory_space<vmem>> -> memref<1x128xi32, #tpu.memory_space<vmem>>
    %dma_wait3A_62 = tpu.memref_squeeze %dma_wait3A_61 : memref<1x128xi32, #tpu.memory_space<vmem>> -> memref<128xi32, #tpu.memory_space<vmem>>
    %dma_wait3A_63 = arith.constant 0 : i32
    %dma_wait3A_64 = arith.constant 0 : i32
    %dma_wait3A_65 = tpu.memref_slice %arg2[%dma_wait3A_63, %dma_wait3A_64] : memref<10000x128xf32, #tpu.memory_space<hbm>> -> memref<10000x128xf32, #tpu.memory_space<hbm>>
    tpu.wait_indirect_dma semaphore(%arg13 : memref<!tpu.dma_semaphore, #tpu.memory_space<semaphore_mem>>) src(%dma_wait3A_65 : memref<10000x128xf32, #tpu.memory_space<hbm>>) dst(%arg8 : memref<128x128xf32, #tpu.memory_space<vmem>>)
    %dma_wait3A_66 = arith.constant 0 : i32
    %dma_wait3A_67 = arith.constant 9856 : i32
    %dma_wait3A_68 = tpu.memref_slice %arg3[%dma_wait3A_66, %add3A, %dma_wait3A_67] : memref<2x32x10000xi32, #tpu.memory_space<hbm>> -> memref<2x1x128xi32, #tpu.memory_space<hbm>>
    %dma_wait3A_69 = tpu.memref_squeeze %dma_wait3A_68 : memref<2x1x128xi32, #tpu.memory_space<hbm>> -> memref<2x128xi32, #tpu.memory_space<hbm>>
    %dma_wait3A_70 = arith.constant 0 : i32
    %dma_wait3A_71 = arith.constant 9856 : i32
    %dma_wait3A_72 = tpu.memref_slice %arg3[%dma_wait3A_70, %add3A, %dma_wait3A_71] : memref<2x32x10000xi32, #tpu.memory_space<hbm>> -> memref<2x1x128xi32, #tpu.memory_space<hbm>>
    %dma_wait3A_73 = tpu.memref_squeeze %dma_wait3A_72 : memref<2x1x128xi32, #tpu.memory_space<hbm>> -> memref<2x128xi32, #tpu.memory_space<hbm>>
    tpu.wait_dma2 semaphore(%arg16 : memref<!tpu.dma_semaphore, #tpu.memory_space<semaphore_mem>>) src(%dma_wait3A_73 : memref<2x128xi32, #tpu.memory_space<hbm>>) dst(%arg7 : memref<2x128xi32, #tpu.memory_space<vmem>>)
    %dma_start3A_74 = arith.constant 0 : i32
    %dma_start3A_75 = arith.constant 0 : i32
    %dma_start3A_76 = tpu.memref_slice %arg7[%dma_start3A_74, %dma_start3A_75] : memref<2x128xi32, #tpu.memory_space<vmem>> -> memref<1x128xi32, #tpu.memory_space<vmem>>
    %dma_start3A_77 = tpu.memref_squeeze %dma_start3A_76 : memref<1x128xi32, #tpu.memory_space<vmem>> -> memref<128xi32, #tpu.memory_space<vmem>>
    %dma_start3A_78 = arith.constant 0 : i32
    %dma_start3A_79 = arith.constant 0 : i32
    %dma_start3A_80 = tpu.memref_slice %arg2[%dma_start3A_78, %dma_start3A_79] : memref<10000x128xf32, #tpu.memory_space<hbm>> -> memref<10000x128xf32, #tpu.memory_space<hbm>>
    tpu.enqueue_indirect_dma source(%dma_start3A_80 : memref<10000x128xf32, #tpu.memory_space<hbm>>) target(%arg9 : memref<128x128xf32, #tpu.memory_space<vmem>>) offsets(%dma_start3A_77 : memref<128xi32, #tpu.memory_space<vmem>>) semaphore(%arg14 : memref<!tpu.dma_semaphore, #tpu.memory_space<semaphore_mem>>)
    %run_scoped3A = arith.constant 1 : i32
    "tpu.region"() ({
      %run_scoped3A_98 = tpu.sem_alloc : memref<!tpu.dma_semaphore, #tpu.memory_space<semaphore_mem>>
      %dma_start3A_99 = arith.constant 0 : i32
      %dma_start3A_100 = tpu.memref_slice %arg6[%run_scoped3A, %dma_start3A_99] : memref<2x128xi32, #tpu.memory_space<vmem>> -> memref<1x128xi32, #tpu.memory_space<vmem>>
      %dma_start3A_101 = tpu.memref_squeeze %dma_start3A_100 : memref<1x128xi32, #tpu.memory_space<vmem>> -> memref<128xi32, #tpu.memory_space<vmem>>
      %dma_start3A_102 = arith.constant 0 : i32
      %dma_start3A_103 = arith.constant 0 : i32
      %dma_start3A_104 = tpu.memref_slice %arg12[%dma_start3A_102, %dma_start3A_103] : memref<10240x128xf32, #tpu.memory_space<vmem_shared>> -> memref<10240x128xf32, #tpu.memory_space<vmem_shared>>
      tpu.enqueue_indirect_dma source(%arg8 : memref<128x128xf32, #tpu.memory_space<vmem>>) target(%dma_start3A_104 : memref<10240x128xf32, #tpu.memory_space<vmem_shared>>) offsets(%dma_start3A_101 : memref<128xi32, #tpu.memory_space<vmem>>) semaphore(%run_scoped3A_98 : memref<!tpu.dma_semaphore, #tpu.memory_space<semaphore_mem>>) {add = true}
      %dma_wait3A_105 = arith.constant 0 : i32
      %dma_wait3A_106 = tpu.memref_slice %arg6[%run_scoped3A, %dma_wait3A_105] : memref<2x128xi32, #tpu.memory_space<vmem>> -> memref<1x128xi32, #tpu.memory_space<vmem>>
      %dma_wait3A_107 = tpu.memref_squeeze %dma_wait3A_106 : memref<1x128xi32, #tpu.memory_space<vmem>> -> memref<128xi32, #tpu.memory_space<vmem>>
      %dma_wait3A_108 = arith.constant 0 : i32
      %dma_wait3A_109 = arith.constant 0 : i32
      %dma_wait3A_110 = tpu.memref_slice %arg12[%dma_wait3A_108, %dma_wait3A_109] : memref<10240x128xf32, #tpu.memory_space<vmem_shared>> -> memref<10240x128xf32, #tpu.memory_space<vmem_shared>>
      tpu.wait_indirect_dma semaphore(%run_scoped3A_98 : memref<!tpu.dma_semaphore, #tpu.memory_space<semaphore_mem>>) src(%arg8 : memref<128x128xf32, #tpu.memory_space<vmem>>) dst(%dma_wait3A_110 : memref<10240x128xf32, #tpu.memory_space<vmem_shared>>)
      tpu.yield
    }) : () -> ()
    %dma_wait3A_81 = arith.constant 0 : i32
    %dma_wait3A_82 = arith.constant 0 : i32
    %dma_wait3A_83 = tpu.memref_slice %arg7[%dma_wait3A_81, %dma_wait3A_82] : memref<2x128xi32, #tpu.memory_space<vmem>> -> memref<1x128xi32, #tpu.memory_space<vmem>>
    %dma_wait3A_84 = tpu.memref_squeeze %dma_wait3A_83 : memref<1x128xi32, #tpu.memory_space<vmem>> -> memref<128xi32, #tpu.memory_space<vmem>>
    %dma_wait3A_85 = arith.constant 0 : i32
    %dma_wait3A_86 = arith.constant 0 : i32
    %dma_wait3A_87 = tpu.memref_slice %arg2[%dma_wait3A_85, %dma_wait3A_86] : memref<10000x128xf32, #tpu.memory_space<hbm>> -> memref<10000x128xf32, #tpu.memory_space<hbm>>
    tpu.wait_indirect_dma semaphore(%arg14 : memref<!tpu.dma_semaphore, #tpu.memory_space<semaphore_mem>>) src(%dma_wait3A_87 : memref<10000x128xf32, #tpu.memory_space<hbm>>) dst(%arg9 : memref<128x128xf32, #tpu.memory_space<vmem>>)
    %run_scoped3A_88 = arith.constant 1 : i32
    "tpu.region"() ({
      %run_scoped3A_98 = tpu.sem_alloc : memref<!tpu.dma_semaphore, #tpu.memory_space<semaphore_mem>>
      %dma_start3A_99 = arith.constant 0 : i32
      %dma_start3A_100 = tpu.memref_slice %arg7[%run_scoped3A_88, %dma_start3A_99] : memref<2x128xi32, #tpu.memory_space<vmem>> -> memref<1x128xi32, #tpu.memory_space<vmem>>
      %dma_start3A_101 = tpu.memref_squeeze %dma_start3A_100 : memref<1x128xi32, #tpu.memory_space<vmem>> -> memref<128xi32, #tpu.memory_space<vmem>>
      %dma_start3A_102 = arith.constant 0 : i32
      %dma_start3A_103 = arith.constant 0 : i32
      %dma_start3A_104 = tpu.memref_slice %arg12[%dma_start3A_102, %dma_start3A_103] : memref<10240x128xf32, #tpu.memory_space<vmem_shared>> -> memref<10240x128xf32, #tpu.memory_space<vmem_shared>>
      tpu.enqueue_indirect_dma source(%arg9 : memref<128x128xf32, #tpu.memory_space<vmem>>) target(%dma_start3A_104 : memref<10240x128xf32, #tpu.memory_space<vmem_shared>>) offsets(%dma_start3A_101 : memref<128xi32, #tpu.memory_space<vmem>>) semaphore(%run_scoped3A_98 : memref<!tpu.dma_semaphore, #tpu.memory_space<semaphore_mem>>) {add = true}
      %dma_wait3A_105 = arith.constant 0 : i32
      %dma_wait3A_106 = tpu.memref_slice %arg7[%run_scoped3A_88, %dma_wait3A_105] : memref<2x128xi32, #tpu.memory_space<vmem>> -> memref<1x128xi32, #tpu.memory_space<vmem>>
      %dma_wait3A_107 = tpu.memref_squeeze %dma_wait3A_106 : memref<1x128xi32, #tpu.memory_space<vmem>> -> memref<128xi32, #tpu.memory_space<vmem>>
      %dma_wait3A_108 = arith.constant 0 : i32
      %dma_wait3A_109 = arith.constant 0 : i32
      %dma_wait3A_110 = tpu.memref_slice %arg12[%dma_wait3A_108, %dma_wait3A_109] : memref<10240x128xf32, #tpu.memory_space<vmem_shared>> -> memref<10240x128xf32, #tpu.memory_space<vmem_shared>>
      tpu.wait_indirect_dma semaphore(%run_scoped3A_98 : memref<!tpu.dma_semaphore, #tpu.memory_space<semaphore_mem>>) src(%arg9 : memref<128x128xf32, #tpu.memory_space<vmem>>) dst(%dma_wait3A_110 : memref<10240x128xf32, #tpu.memory_space<vmem_shared>>)
      tpu.yield
    }) : () -> ()
    %dma_wait3A_89 = arith.constant 0 : i32
    %dma_wait3A_90 = arith.constant 0 : i32
    %dma_wait3A_91 = tpu.memref_slice %arg10[%dma_wait3A_89, %dma_wait3A_90] : memref<2x16xi32, #tpu.memory_space<vmem>> -> memref<1x16xi32, #tpu.memory_space<vmem>>
    %dma_wait3A_92 = tpu.memref_squeeze %dma_wait3A_91 : memref<1x16xi32, #tpu.memory_space<vmem>> -> memref<16xi32, #tpu.memory_space<vmem>>
    %dma_wait3A_93 = arith.constant 0 : i32
    %dma_wait3A_94 = arith.constant 0 : i32
    %dma_wait3A_95 = tpu.memref_slice %arg2[%dma_wait3A_93, %dma_wait3A_94] : memref<10000x128xf32, #tpu.memory_space<hbm>> -> memref<10000x128xf32, #tpu.memory_space<hbm>>
    tpu.wait_indirect_dma semaphore(%arg17 : memref<!tpu.dma_semaphore, #tpu.memory_space<semaphore_mem>>) src(%dma_wait3A_95 : memref<10000x128xf32, #tpu.memory_space<hbm>>) dst(%arg11 : memref<16x128xf32, #tpu.memory_space<vmem>>)
    %run_scoped3A_96 = arith.constant 1 : i32
    "tpu.region"() ({
      %run_scoped3A_98 = tpu.sem_alloc : memref<!tpu.dma_semaphore, #tpu.memory_space<semaphore_mem>>
      %dma_start3A_99 = arith.constant 0 : i32
      %dma_start3A_100 = tpu.memref_slice %arg10[%run_scoped3A_96, %dma_start3A_99] : memref<2x16xi32, #tpu.memory_space<vmem>> -> memref<1x16xi32, #tpu.memory_space<vmem>>
      %dma_start3A_101 = tpu.memref_squeeze %dma_start3A_100 : memref<1x16xi32, #tpu.memory_space<vmem>> -> memref<16xi32, #tpu.memory_space<vmem>>
      %dma_start3A_102 = arith.constant 0 : i32
      %dma_start3A_103 = arith.constant 0 : i32
      %dma_start3A_104 = tpu.memref_slice %arg12[%dma_start3A_102, %dma_start3A_103] : memref<10240x128xf32, #tpu.memory_space<vmem_shared>> -> memref<10240x128xf32, #tpu.memory_space<vmem_shared>>
      tpu.enqueue_indirect_dma source(%arg11 : memref<16x128xf32, #tpu.memory_space<vmem>>) target(%dma_start3A_104 : memref<10240x128xf32, #tpu.memory_space<vmem_shared>>) offsets(%dma_start3A_101 : memref<16xi32, #tpu.memory_space<vmem>>) semaphore(%run_scoped3A_98 : memref<!tpu.dma_semaphore, #tpu.memory_space<semaphore_mem>>) {add = true}
      %dma_wait3A_105 = arith.constant 0 : i32
      %dma_wait3A_106 = tpu.memref_slice %arg10[%run_scoped3A_96, %dma_wait3A_105] : memref<2x16xi32, #tpu.memory_space<vmem>> -> memref<1x16xi32, #tpu.memory_space<vmem>>
      %dma_wait3A_107 = tpu.memref_squeeze %dma_wait3A_106 : memref<1x16xi32, #tpu.memory_space<vmem>> -> memref<16xi32, #tpu.memory_space<vmem>>
      %dma_wait3A_108 = arith.constant 0 : i32
      %dma_wait3A_109 = arith.constant 0 : i32
      %dma_wait3A_110 = tpu.memref_slice %arg12[%dma_wait3A_108, %dma_wait3A_109] : memref<10240x128xf32, #tpu.memory_space<vmem_shared>> -> memref<10240x128xf32, #tpu.memory_space<vmem_shared>>
      tpu.wait_indirect_dma semaphore(%run_scoped3A_98 : memref<!tpu.dma_semaphore, #tpu.memory_space<semaphore_mem>>) src(%arg11 : memref<16x128xf32, #tpu.memory_space<vmem>>) dst(%dma_wait3A_110 : memref<10240x128xf32, #tpu.memory_space<vmem_shared>>)
      tpu.yield
    }) : () -> ()
    %barrier3A_97 = arith.constant 0 : index
    tpu.barrier barrier_id(%barrier3A_97)
    "tpu.region"() ({
      %run_scoped3A_98 = tpu.sem_alloc : memref<!tpu.dma_semaphore, #tpu.memory_space<semaphore_mem>>
      %dma_start3A_99 = arith.constant 0 : i32
      %dma_start3A_100 = tpu.memref_slice %arg5[%arg0, %mul3A_2, %dma_start3A_99] : memref<2x10240x128xf32, #tpu.memory_space<hbm>> -> memref<1x640x128xf32, #tpu.memory_space<hbm>>
      %dma_start3A_101 = tpu.memref_squeeze %dma_start3A_100 : memref<1x640x128xf32, #tpu.memory_space<hbm>> -> memref<640x128xf32, #tpu.memory_space<hbm>>
      %dma_start3A_102 = arith.constant 0 : i32
      %dma_start3A_103 = tpu.memref_slice %arg12[%mul3A_2, %dma_start3A_102] : memref<10240x128xf32, #tpu.memory_space<vmem_shared>> -> memref<640x128xf32, #tpu.memory_space<vmem_shared>>
      tpu.enqueue_dma source(%dma_start3A_103 : memref<640x128xf32, #tpu.memory_space<vmem_shared>>) target(%dma_start3A_101 : memref<640x128xf32, #tpu.memory_space<hbm>>) target_semaphore(%run_scoped3A_98 : memref<!tpu.dma_semaphore, #tpu.memory_space<semaphore_mem>>)
      %dma_wait3A_104 = arith.constant 0 : i32
      %dma_wait3A_105 = tpu.memref_slice %arg5[%arg0, %mul3A_2, %dma_wait3A_104] : memref<2x10240x128xf32, #tpu.memory_space<hbm>> -> memref<1x640x128xf32, #tpu.memory_space<hbm>>
      %dma_wait3A_106 = tpu.memref_squeeze %dma_wait3A_105 : memref<1x640x128xf32, #tpu.memory_space<hbm>> -> memref<640x128xf32, #tpu.memory_space<hbm>>
      %dma_wait3A_107 = arith.constant 0 : i32
      %dma_wait3A_108 = tpu.memref_slice %arg12[%mul3A_2, %dma_wait3A_107] : memref<10240x128xf32, #tpu.memory_space<vmem_shared>> -> memref<640x128xf32, #tpu.memory_space<vmem_shared>>
      tpu.wait_dma2 semaphore(%run_scoped3A_98 : memref<!tpu.dma_semaphore, #tpu.memory_space<semaphore_mem>>) src(%dma_wait3A_108 : memref<640x128xf32, #tpu.memory_space<vmem_shared>>) dst(%dma_wait3A_106 : memref<640x128xf32, #tpu.memory_space<hbm>>)
      tpu.yield
    }) : () -> ()
    return
  }
}

#map = affine_map<(d0, d1) -> (0, 0)>
#map1 = affine_map<(d0, d1) -> (0, 0, 0)>
module attributes {stable_mosaic.version = 14 : i64} {
  func.func @agg_kernel(%arg0: i32, %arg1: i32, %arg2: memref<10000x128xf32, #tpu.memory_space<hbm>>, %arg3: memref<2x32x10000xi32, #tpu.memory_space<hbm>>, %arg4: memref<10240x128xf32, #tpu.memory_space<hbm>>, %arg5: memref<2x10240x128xf32, #tpu.memory_space<hbm>>, %arg6: memref<2x128xi32, #tpu.memory_space<vmem>>, %arg7: memref<2x128xi32, #tpu.memory_space<vmem>>, %arg8: memref<128x128xf32, #tpu.memory_space<vmem>>, %arg9: memref<128x128xf32, #tpu.memory_space<vmem>>, %arg10: memref<2x16xi32, #tpu.memory_space<vmem>>, %arg11: memref<16x128xf32, #tpu.memory_space<vmem>>, %arg12: memref<10240x128xf32, #tpu.memory_space<vmem_shared>>, %arg13: memref<!tpu.dma_semaphore, #tpu.memory_space<semaphore_mem>>, %arg14: memref<!tpu.dma_semaphore, #tpu.memory_space<semaphore_mem>>, %arg15: memref<!tpu.dma_semaphore, #tpu.memory_space<semaphore_mem>>, %arg16: memref<!tpu.dma_semaphore, #tpu.memory_space<semaphore_mem>>, %arg17: memref<!tpu.dma_semaphore, #tpu.memory_space<semaphore_mem>>) attributes {dimension_semantics = [#tpu.dimension_semantics<core_parallel>, #tpu.dimension_semantics<subcore_parallel>], iteration_bounds = array<i64: 2, 16>, scalar_prefetch = 0 : i64, scratch_operands = 12 : i64, tpu.core_type = #tpu.core_type<sc_vector_subcore>, window_params = [{transform_indices = #map}, {transform_indices = #map1}, {transform_indices = #map}, {transform_indices = #map1}]} {
    %mul3A = arith.constant 16 : i32
    %mul3A_0 = arith.muli %arg0, %mul3A : i32
    %add3A = arith.addi %mul3A_0, %arg1 : i32
    %mul3A_1 = arith.constant 640 : i32
    %mul3A_2 = arith.muli %arg1, %mul3A_1 : i32
    %dma_start3A = arith.constant 0 : i32
    %dma_start3A_3 = arith.constant 0 : i32
    %dma_start3A_4 = tpu.memref_slice %arg3[%dma_start3A, %add3A, %dma_start3A_3] : memref<2x32x10000xi32, #tpu.memory_space<hbm>> -> memref<2x1x128xi32, #tpu.memory_space<hbm>>
    %dma_start3A_5 = tpu.memref_squeeze %dma_start3A_4 : memref<2x1x128xi32, #tpu.memory_space<hbm>> -> memref<2x128xi32, #tpu.memory_space<hbm>>
    %dma_start3A_6 = arith.constant 0 : i32
    %dma_start3A_7 = arith.constant 0 : i32
    %dma_start3A_8 = tpu.memref_slice %arg3[%dma_start3A_6, %add3A, %dma_start3A_7] : memref<2x32x10000xi32, #tpu.memory_space<hbm>> -> memref<2x1x128xi32, #tpu.memory_space<hbm>>
    %dma_start3A_9 = tpu.memref_squeeze %dma_start3A_8 : memref<2x1x128xi32, #tpu.memory_space<hbm>> -> memref<2x128xi32, #tpu.memory_space<hbm>>
    tpu.enqueue_dma source(%dma_start3A_9 : memref<2x128xi32, #tpu.memory_space<hbm>>) target(%arg6 : memref<2x128xi32, #tpu.memory_space<vmem>>) target_semaphore(%arg15 : memref<!tpu.dma_semaphore, #tpu.memory_space<semaphore_mem>>)
    %dma_start3A_10 = arith.constant 0 : i32
    %dma_start3A_11 = arith.constant 9984 : i32
    %dma_start3A_12 = tpu.memref_slice %arg3[%dma_start3A_10, %add3A, %dma_start3A_11] : memref<2x32x10000xi32, #tpu.memory_space<hbm>> -> memref<2x1x16xi32, #tpu.memory_space<hbm>>
    %dma_start3A_13 = tpu.memref_squeeze %dma_start3A_12 : memref<2x1x16xi32, #tpu.memory_space<hbm>> -> memref<2x16xi32, #tpu.memory_space<hbm>>
    %dma_start3A_14 = arith.constant 0 : i32
    %dma_start3A_15 = arith.constant 9984 : i32
    %dma_start3A_16 = tpu.memref_slice %arg3[%dma_start3A_14, %add3A, %dma_start3A_15] : memref<2x32x10000xi32, #tpu.memory_space<hbm>> -> memref<2x1x16xi32, #tpu.memory_space<hbm>>
    %dma_start3A_17 = tpu.memref_squeeze %dma_start3A_16 : memref<2x1x16xi32, #tpu.memory_space<hbm>> -> memref<2x16xi32, #tpu.memory_space<hbm>>
    tpu.enqueue_dma source(%dma_start3A_17 : memref<2x16xi32, #tpu.memory_space<hbm>>) target(%arg10 : memref<2x16xi32, #tpu.memory_space<vmem>>) target_semaphore(%arg17 : memref<!tpu.dma_semaphore, #tpu.memory_space<semaphore_mem>>)
    %dma_wait3A = arith.constant 0 : i32
    %dma_wait3A_18 = arith.constant 0 : i32
    %dma_wait3A_19 = tpu.memref_slice %arg3[%dma_wait3A, %add3A, %dma_wait3A_18] : memref<2x32x10000xi32, #tpu.memory_space<hbm>> -> memref<2x1x128xi32, #tpu.memory_space<hbm>>
    %dma_wait3A_20 = tpu.memref_squeeze %dma_wait3A_19 : memref<2x1x128xi32, #tpu.memory_space<hbm>> -> memref<2x128xi32, #tpu.memory_space<hbm>>
    %dma_wait3A_21 = arith.constant 0 : i32
    %dma_wait3A_22 = arith.constant 0 : i32
    %dma_wait3A_23 = tpu.memref_slice %arg3[%dma_wait3A_21, %add3A, %dma_wait3A_22] : memref<2x32x10000xi32, #tpu.memory_space<hbm>> -> memref<2x1x128xi32, #tpu.memory_space<hbm>>
    %dma_wait3A_24 = tpu.memref_squeeze %dma_wait3A_23 : memref<2x1x128xi32, #tpu.memory_space<hbm>> -> memref<2x128xi32, #tpu.memory_space<hbm>>
    tpu.wait_dma2 semaphore(%arg15 : memref<!tpu.dma_semaphore, #tpu.memory_space<semaphore_mem>>) src(%dma_wait3A_24 : memref<2x128xi32, #tpu.memory_space<hbm>>) dst(%arg6 : memref<2x128xi32, #tpu.memory_space<vmem>>)
    %dma_start3A_25 = arith.constant 0 : i32
    %dma_start3A_26 = arith.constant 0 : i32
    %dma_start3A_27 = tpu.memref_slice %arg6[%dma_start3A_25, %dma_start3A_26] : memref<2x128xi32, #tpu.memory_space<vmem>> -> memref<1x128xi32, #tpu.memory_space<vmem>>
    %dma_start3A_28 = tpu.memref_squeeze %dma_start3A_27 : memref<1x128xi32, #tpu.memory_space<vmem>> -> memref<128xi32, #tpu.memory_space<vmem>>
    %dma_start3A_29 = arith.constant 0 : i32
    %dma_start3A_30 = arith.constant 0 : i32
    %dma_start3A_31 = tpu.memref_slice %arg2[%dma_start3A_29, %dma_start3A_30] : memref<10000x128xf32, #tpu.memory_space<hbm>> -> memref<10000x128xf32, #tpu.memory_space<hbm>>
    tpu.enqueue_indirect_dma source(%dma_start3A_31 : memref<10000x128xf32, #tpu.memory_space<hbm>>) target(%arg8 : memref<128x128xf32, #tpu.memory_space<vmem>>) offsets(%dma_start3A_28 : memref<128xi32, #tpu.memory_space<vmem>>) semaphore(%arg13 : memref<!tpu.dma_semaphore, #tpu.memory_space<semaphore_mem>>)
    %dma_start3A_32 = arith.constant 0 : i32
    %dma_start3A_33 = arith.constant 128 : i32
    %dma_start3A_34 = tpu.memref_slice %arg3[%dma_start3A_32, %add3A, %dma_start3A_33] : memref<2x32x10000xi32, #tpu.memory_space<hbm>> -> memref<2x1x128xi32, #tpu.memory_space<hbm>>
    %dma_start3A_35 = tpu.memref_squeeze %dma_start3A_34 : memref<2x1x128xi32, #tpu.memory_space<hbm>> -> memref<2x128xi32, #tpu.memory_space<hbm>>
    %dma_start3A_36 = arith.constant 0 : i32
    %dma_start3A_37 = arith.constant 128 : i32
    %dma_start3A_38 = tpu.memref_slice %arg3[%dma_start3A_36, %add3A, %dma_start3A_37] : memref<2x32x10000xi32, #tpu.memory_space<hbm>> -> memref<2x1x128xi32, #tpu.memory_space<hbm>>
    %dma_start3A_39 = tpu.memref_squeeze %dma_start3A_38 : memref<2x1x128xi32, #tpu.memory_space<hbm>> -> memref<2x128xi32, #tpu.memory_space<hbm>>
    tpu.enqueue_dma source(%dma_start3A_39 : memref<2x128xi32, #tpu.memory_space<hbm>>) target(%arg7 : memref<2x128xi32, #tpu.memory_space<vmem>>) target_semaphore(%arg16 : memref<!tpu.dma_semaphore, #tpu.memory_space<semaphore_mem>>)
    %dma_wait3A_40 = arith.constant 0 : i32
    %dma_wait3A_41 = arith.constant 9984 : i32
    %dma_wait3A_42 = tpu.memref_slice %arg3[%dma_wait3A_40, %add3A, %dma_wait3A_41] : memref<2x32x10000xi32, #tpu.memory_space<hbm>> -> memref<2x1x16xi32, #tpu.memory_space<hbm>>
    %dma_wait3A_43 = tpu.memref_squeeze %dma_wait3A_42 : memref<2x1x16xi32, #tpu.memory_space<hbm>> -> memref<2x16xi32, #tpu.memory_space<hbm>>
    %dma_wait3A_44 = arith.constant 0 : i32
    %dma_wait3A_45 = arith.constant 9984 : i32
    %dma_wait3A_46 = tpu.memref_slice %arg3[%dma_wait3A_44, %add3A, %dma_wait3A_45] : memref<2x32x10000xi32, #tpu.memory_space<hbm>> -> memref<2x1x16xi32, #tpu.memory_space<hbm>>
    %dma_wait3A_47 = tpu.memref_squeeze %dma_wait3A_46 : memref<2x1x16xi32, #tpu.memory_space<hbm>> -> memref<2x16xi32, #tpu.memory_space<hbm>>
    tpu.wait_dma2 semaphore(%arg17 : memref<!tpu.dma_semaphore, #tpu.memory_space<semaphore_mem>>) src(%dma_wait3A_47 : memref<2x16xi32, #tpu.memory_space<hbm>>) dst(%arg10 : memref<2x16xi32, #tpu.memory_space<vmem>>)
    %dma_start3A_48 = arith.constant 0 : i32
    %dma_start3A_49 = arith.constant 0 : i32
    %dma_start3A_50 = tpu.memref_slice %arg10[%dma_start3A_48, %dma_start3A_49] : memref<2x16xi32, #tpu.memory_space<vmem>> -> memref<1x16xi32, #tpu.memory_space<vmem>>
    %dma_start3A_51 = tpu.memref_squeeze %dma_start3A_50 : memref<1x16xi32, #tpu.memory_space<vmem>> -> memref<16xi32, #tpu.memory_space<vmem>>
    %dma_start3A_52 = arith.constant 0 : i32
    %dma_start3A_53 = arith.constant 0 : i32
    %dma_start3A_54 = tpu.memref_slice %arg2[%dma_start3A_52, %dma_start3A_53] : memref<10000x128xf32, #tpu.memory_space<hbm>> -> memref<10000x128xf32, #tpu.memory_space<hbm>>
    tpu.enqueue_indirect_dma source(%dma_start3A_54 : memref<10000x128xf32, #tpu.memory_space<hbm>>) target(%arg11 : memref<16x128xf32, #tpu.memory_space<vmem>>) offsets(%dma_start3A_51 : memref<16xi32, #tpu.memory_space<vmem>>) semaphore(%arg17 : memref<!tpu.dma_semaphore, #tpu.memory_space<semaphore_mem>>)
    "tpu.region"() ({
      %run_scoped3A_98 = tpu.sem_alloc : memref<!tpu.dma_semaphore, #tpu.memory_space<semaphore_mem>>
      %dma_start3A_99 = arith.constant 0 : i32
      %dma_start3A_100 = tpu.memref_slice %arg12[%mul3A_2, %dma_start3A_99] : memref<10240x128xf32, #tpu.memory_space<vmem_shared>> -> memref<640x128xf32, #tpu.memory_space<vmem_shared>>
      %dma_start3A_101 = arith.constant 0 : i32
      %dma_start3A_102 = tpu.memref_slice %arg4[%mul3A_2, %dma_start3A_101] : memref<10240x128xf32, #tpu.memory_space<hbm>> -> memref<640x128xf32, #tpu.memory_space<hbm>>
      tpu.enqueue_dma source(%dma_start3A_102 : memref<640x128xf32, #tpu.memory_space<hbm>>) target(%dma_start3A_100 : memref<640x128xf32, #tpu.memory_space<vmem_shared>>) target_semaphore(%run_scoped3A_98 : memref<!tpu.dma_semaphore, #tpu.memory_space<semaphore_mem>>)
      %dma_wait3A_103 = arith.constant 0 : i32
      %dma_wait3A_104 = tpu.memref_slice %arg12[%mul3A_2, %dma_wait3A_103] : memref<10240x128xf32, #tpu.memory_space<vmem_shared>> -> memref<640x128xf32, #tpu.memory_space<vmem_shared>>
      %dma_wait3A_105 = arith.constant 0 : i32
      %dma_wait3A_106 = tpu.memref_slice %arg4[%mul3A_2, %dma_wait3A_105] : memref<10240x128xf32, #tpu.memory_space<hbm>> -> memref<640x128xf32, #tpu.memory_space<hbm>>
      tpu.wait_dma2 semaphore(%run_scoped3A_98 : memref<!tpu.dma_semaphore, #tpu.memory_space<semaphore_mem>>) src(%dma_wait3A_106 : memref<640x128xf32, #tpu.memory_space<hbm>>) dst(%dma_wait3A_104 : memref<640x128xf32, #tpu.memory_space<vmem_shared>>)
      tpu.yield
    }) : () -> ()
    %barrier3A = arith.constant 0 : index
    tpu.barrier barrier_id(%barrier3A)
    %scan3A = arith.constant 0 : i32
    %scan3A_55 = arith.constant 38 : i32
    %scan3A_56 = arith.addi %scan3A, %scan3A_55 : i32
    %scan3A_57 = arith.constant 1 : i32
    scf.for %scan3A_98 = %scan3A to %scan3A_56 step %scan3A_57  : i32 {
      %mul3A_99 = arith.constant 2 : i32
      %mul3A_100 = arith.muli %scan3A_98, %mul3A_99 : i32
      %add3A_101 = arith.constant 0 : i32
      %add3A_102 = arith.addi %add3A_101, %mul3A_100 : i32
      %dma_wait3A_103 = arith.constant 0 : i32
      %dma_wait3A_104 = arith.constant 0 : i32
      %dma_wait3A_105 = tpu.memref_slice %arg6[%dma_wait3A_103, %dma_wait3A_104] : memref<2x128xi32, #tpu.memory_space<vmem>> -> memref<1x128xi32, #tpu.memory_space<vmem>>
      %dma_wait3A_106 = tpu.memref_squeeze %dma_wait3A_105 : memref<1x128xi32, #tpu.memory_space<vmem>> -> memref<128xi32, #tpu.memory_space<vmem>>
      %dma_wait3A_107 = arith.constant 0 : i32
      %dma_wait3A_108 = arith.constant 0 : i32
      %dma_wait3A_109 = tpu.memref_slice %arg2[%dma_wait3A_107, %dma_wait3A_108] : memref<10000x128xf32, #tpu.memory_space<hbm>> -> memref<10000x128xf32, #tpu.memory_space<hbm>>
      tpu.wait_indirect_dma semaphore(%arg13 : memref<!tpu.dma_semaphore, #tpu.memory_space<semaphore_mem>>) src(%dma_wait3A_109 : memref<10000x128xf32, #tpu.memory_space<hbm>>) dst(%arg8 : memref<128x128xf32, #tpu.memory_space<vmem>>)
      %add3A_110 = arith.constant 1 : i32
      %add3A_111 = arith.addi %add3A_102, %add3A_110 : i32
      %mul3A_112 = arith.constant 128 : i32
      %mul3A_113 = arith.muli %add3A_111, %mul3A_112 : i32
      %dma_wait3A_114 = arith.constant 0 : i32
      %dma_wait3A_115 = tpu.memref_slice %arg3[%dma_wait3A_114, %add3A, %mul3A_113] : memref<2x32x10000xi32, #tpu.memory_space<hbm>> -> memref<2x1x128xi32, #tpu.memory_space<hbm>>
      %dma_wait3A_116 = tpu.memref_squeeze %dma_wait3A_115 : memref<2x1x128xi32, #tpu.memory_space<hbm>> -> memref<2x128xi32, #tpu.memory_space<hbm>>
      %dma_wait3A_117 = arith.constant 0 : i32
      %dma_wait3A_118 = tpu.memref_slice %arg3[%dma_wait3A_117, %add3A, %mul3A_113] : memref<2x32x10000xi32, #tpu.memory_space<hbm>> -> memref<2x1x128xi32, #tpu.memory_space<hbm>>
      %dma_wait3A_119 = tpu.memref_squeeze %dma_wait3A_118 : memref<2x1x128xi32, #tpu.memory_space<hbm>> -> memref<2x128xi32, #tpu.memory_space<hbm>>
      tpu.wait_dma2 semaphore(%arg16 : memref<!tpu.dma_semaphore, #tpu.memory_space<semaphore_mem>>) src(%dma_wait3A_119 : memref<2x128xi32, #tpu.memory_space<hbm>>) dst(%arg7 : memref<2x128xi32, #tpu.memory_space<vmem>>)
      %dma_start3A_120 = arith.constant 0 : i32
      %dma_start3A_121 = arith.constant 0 : i32
      %dma_start3A_122 = tpu.memref_slice %arg7[%dma_start3A_120, %dma_start3A_121] : memref<2x128xi32, #tpu.memory_space<vmem>> -> memref<1x128xi32, #tpu.memory_space<vmem>>
      %dma_start3A_123 = tpu.memref_squeeze %dma_start3A_122 : memref<1x128xi32, #tpu.memory_space<vmem>> -> memref<128xi32, #tpu.memory_space<vmem>>
      %dma_start3A_124 = arith.constant 0 : i32
      %dma_start3A_125 = arith.constant 0 : i32
      %dma_start3A_126 = tpu.memref_slice %arg2[%dma_start3A_124, %dma_start3A_125] : memref<10000x128xf32, #tpu.memory_space<hbm>> -> memref<10000x128xf32, #tpu.memory_space<hbm>>
      tpu.enqueue_indirect_dma source(%dma_start3A_126 : memref<10000x128xf32, #tpu.memory_space<hbm>>) target(%arg9 : memref<128x128xf32, #tpu.memory_space<vmem>>) offsets(%dma_start3A_123 : memref<128xi32, #tpu.memory_space<vmem>>) semaphore(%arg14 : memref<!tpu.dma_semaphore, #tpu.memory_space<semaphore_mem>>)
      %run_scoped3A_127 = arith.constant 1 : i32
      "tpu.region"() ({
        %run_scoped3A_173 = tpu.sem_alloc : memref<!tpu.dma_semaphore, #tpu.memory_space<semaphore_mem>>
        %dma_start3A_174 = arith.constant 0 : i32
        %dma_start3A_175 = tpu.memref_slice %arg6[%run_scoped3A_127, %dma_start3A_174] : memref<2x128xi32, #tpu.memory_space<vmem>> -> memref<1x128xi32, #tpu.memory_space<vmem>>
        %dma_start3A_176 = tpu.memref_squeeze %dma_start3A_175 : memref<1x128xi32, #tpu.memory_space<vmem>> -> memref<128xi32, #tpu.memory_space<vmem>>
        %dma_start3A_177 = arith.constant 0 : i32
        %dma_start3A_178 = arith.constant 0 : i32
        %dma_start3A_179 = tpu.memref_slice %arg12[%dma_start3A_177, %dma_start3A_178] : memref<10240x128xf32, #tpu.memory_space<vmem_shared>> -> memref<10240x128xf32, #tpu.memory_space<vmem_shared>>
        tpu.enqueue_indirect_dma source(%arg8 : memref<128x128xf32, #tpu.memory_space<vmem>>) target(%dma_start3A_179 : memref<10240x128xf32, #tpu.memory_space<vmem_shared>>) offsets(%dma_start3A_176 : memref<128xi32, #tpu.memory_space<vmem>>) semaphore(%run_scoped3A_173 : memref<!tpu.dma_semaphore, #tpu.memory_space<semaphore_mem>>) {add = true}
        %dma_wait3A_180 = arith.constant 0 : i32
        %dma_wait3A_181 = tpu.memref_slice %arg6[%run_scoped3A_127, %dma_wait3A_180] : memref<2x128xi32, #tpu.memory_space<vmem>> -> memref<1x128xi32, #tpu.memory_space<vmem>>
        %dma_wait3A_182 = tpu.memref_squeeze %dma_wait3A_181 : memref<1x128xi32, #tpu.memory_space<vmem>> -> memref<128xi32, #tpu.memory_space<vmem>>
        %dma_wait3A_183 = arith.constant 0 : i32
        %dma_wait3A_184 = arith.constant 0 : i32
        %dma_wait3A_185 = tpu.memref_slice %arg12[%dma_wait3A_183, %dma_wait3A_184] : memref<10240x128xf32, #tpu.memory_space<vmem_shared>> -> memref<10240x128xf32, #tpu.memory_space<vmem_shared>>
        tpu.wait_indirect_dma semaphore(%run_scoped3A_173 : memref<!tpu.dma_semaphore, #tpu.memory_space<semaphore_mem>>) src(%arg8 : memref<128x128xf32, #tpu.memory_space<vmem>>) dst(%dma_wait3A_185 : memref<10240x128xf32, #tpu.memory_space<vmem_shared>>)
        tpu.yield
      }) : () -> ()
      %add3A_128 = arith.constant 2 : i32
      %add3A_129 = arith.addi %add3A_102, %add3A_128 : i32
      %mul3A_130 = arith.constant 128 : i32
      %mul3A_131 = arith.muli %add3A_129, %mul3A_130 : i32
      %dma_start3A_132 = arith.constant 0 : i32
      %dma_start3A_133 = tpu.memref_slice %arg3[%dma_start3A_132, %add3A, %mul3A_131] : memref<2x32x10000xi32, #tpu.memory_space<hbm>> -> memref<2x1x128xi32, #tpu.memory_space<hbm>>
      %dma_start3A_134 = tpu.memref_squeeze %dma_start3A_133 : memref<2x1x128xi32, #tpu.memory_space<hbm>> -> memref<2x128xi32, #tpu.memory_space<hbm>>
      %dma_start3A_135 = arith.constant 0 : i32
      %dma_start3A_136 = tpu.memref_slice %arg3[%dma_start3A_135, %add3A, %mul3A_131] : memref<2x32x10000xi32, #tpu.memory_space<hbm>> -> memref<2x1x128xi32, #tpu.memory_space<hbm>>
      %dma_start3A_137 = tpu.memref_squeeze %dma_start3A_136 : memref<2x1x128xi32, #tpu.memory_space<hbm>> -> memref<2x128xi32, #tpu.memory_space<hbm>>
      tpu.enqueue_dma source(%dma_start3A_137 : memref<2x128xi32, #tpu.memory_space<hbm>>) target(%arg6 : memref<2x128xi32, #tpu.memory_space<vmem>>) target_semaphore(%arg15 : memref<!tpu.dma_semaphore, #tpu.memory_space<semaphore_mem>>)
      %dma_wait3A_138 = arith.constant 0 : i32
      %dma_wait3A_139 = arith.constant 0 : i32
      %dma_wait3A_140 = tpu.memref_slice %arg7[%dma_wait3A_138, %dma_wait3A_139] : memref<2x128xi32, #tpu.memory_space<vmem>> -> memref<1x128xi32, #tpu.memory_space<vmem>>
      %dma_wait3A_141 = tpu.memref_squeeze %dma_wait3A_140 : memref<1x128xi32, #tpu.memory_space<vmem>> -> memref<128xi32, #tpu.memory_space<vmem>>
      %dma_wait3A_142 = arith.constant 0 : i32
      %dma_wait3A_143 = arith.constant 0 : i32
      %dma_wait3A_144 = tpu.memref_slice %arg2[%dma_wait3A_142, %dma_wait3A_143] : memref<10000x128xf32, #tpu.memory_space<hbm>> -> memref<10000x128xf32, #tpu.memory_space<hbm>>
      tpu.wait_indirect_dma semaphore(%arg14 : memref<!tpu.dma_semaphore, #tpu.memory_space<semaphore_mem>>) src(%dma_wait3A_144 : memref<10000x128xf32, #tpu.memory_space<hbm>>) dst(%arg9 : memref<128x128xf32, #tpu.memory_space<vmem>>)
      %add3A_145 = arith.constant 2 : i32
      %add3A_146 = arith.addi %add3A_102, %add3A_145 : i32
      %mul3A_147 = arith.constant 128 : i32
      %mul3A_148 = arith.muli %add3A_146, %mul3A_147 : i32
      %dma_wait3A_149 = arith.constant 0 : i32
      %dma_wait3A_150 = tpu.memref_slice %arg3[%dma_wait3A_149, %add3A, %mul3A_148] : memref<2x32x10000xi32, #tpu.memory_space<hbm>> -> memref<2x1x128xi32, #tpu.memory_space<hbm>>
      %dma_wait3A_151 = tpu.memref_squeeze %dma_wait3A_150 : memref<2x1x128xi32, #tpu.memory_space<hbm>> -> memref<2x128xi32, #tpu.memory_space<hbm>>
      %dma_wait3A_152 = arith.constant 0 : i32
      %dma_wait3A_153 = tpu.memref_slice %arg3[%dma_wait3A_152, %add3A, %mul3A_148] : memref<2x32x10000xi32, #tpu.memory_space<hbm>> -> memref<2x1x128xi32, #tpu.memory_space<hbm>>
      %dma_wait3A_154 = tpu.memref_squeeze %dma_wait3A_153 : memref<2x1x128xi32, #tpu.memory_space<hbm>> -> memref<2x128xi32, #tpu.memory_space<hbm>>
      tpu.wait_dma2 semaphore(%arg15 : memref<!tpu.dma_semaphore, #tpu.memory_space<semaphore_mem>>) src(%dma_wait3A_154 : memref<2x128xi32, #tpu.memory_space<hbm>>) dst(%arg6 : memref<2x128xi32, #tpu.memory_space<vmem>>)
      %dma_start3A_155 = arith.constant 0 : i32
      %dma_start3A_156 = arith.constant 0 : i32
      %dma_start3A_157 = tpu.memref_slice %arg6[%dma_start3A_155, %dma_start3A_156] : memref<2x128xi32, #tpu.memory_space<vmem>> -> memref<1x128xi32, #tpu.memory_space<vmem>>
      %dma_start3A_158 = tpu.memref_squeeze %dma_start3A_157 : memref<1x128xi32, #tpu.memory_space<vmem>> -> memref<128xi32, #tpu.memory_space<vmem>>
      %dma_start3A_159 = arith.constant 0 : i32
      %dma_start3A_160 = arith.constant 0 : i32
      %dma_start3A_161 = tpu.memref_slice %arg2[%dma_start3A_159, %dma_start3A_160] : memref<10000x128xf32, #tpu.memory_space<hbm>> -> memref<10000x128xf32, #tpu.memory_space<hbm>>
      tpu.enqueue_indirect_dma source(%dma_start3A_161 : memref<10000x128xf32, #tpu.memory_space<hbm>>) target(%arg8 : memref<128x128xf32, #tpu.memory_space<vmem>>) offsets(%dma_start3A_158 : memref<128xi32, #tpu.memory_space<vmem>>) semaphore(%arg13 : memref<!tpu.dma_semaphore, #tpu.memory_space<semaphore_mem>>)
      %run_scoped3A_162 = arith.constant 1 : i32
      "tpu.region"() ({
        %run_scoped3A_173 = tpu.sem_alloc : memref<!tpu.dma_semaphore, #tpu.memory_space<semaphore_mem>>
        %dma_start3A_174 = arith.constant 0 : i32
        %dma_start3A_175 = tpu.memref_slice %arg7[%run_scoped3A_162, %dma_start3A_174] : memref<2x128xi32, #tpu.memory_space<vmem>> -> memref<1x128xi32, #tpu.memory_space<vmem>>
        %dma_start3A_176 = tpu.memref_squeeze %dma_start3A_175 : memref<1x128xi32, #tpu.memory_space<vmem>> -> memref<128xi32, #tpu.memory_space<vmem>>
        %dma_start3A_177 = arith.constant 0 : i32
        %dma_start3A_178 = arith.constant 0 : i32
        %dma_start3A_179 = tpu.memref_slice %arg12[%dma_start3A_177, %dma_start3A_178] : memref<10240x128xf32, #tpu.memory_space<vmem_shared>> -> memref<10240x128xf32, #tpu.memory_space<vmem_shared>>
        tpu.enqueue_indirect_dma source(%arg9 : memref<128x128xf32, #tpu.memory_space<vmem>>) target(%dma_start3A_179 : memref<10240x128xf32, #tpu.memory_space<vmem_shared>>) offsets(%dma_start3A_176 : memref<128xi32, #tpu.memory_space<vmem>>) semaphore(%run_scoped3A_173 : memref<!tpu.dma_semaphore, #tpu.memory_space<semaphore_mem>>) {add = true}
        %dma_wait3A_180 = arith.constant 0 : i32
        %dma_wait3A_181 = tpu.memref_slice %arg7[%run_scoped3A_162, %dma_wait3A_180] : memref<2x128xi32, #tpu.memory_space<vmem>> -> memref<1x128xi32, #tpu.memory_space<vmem>>
        %dma_wait3A_182 = tpu.memref_squeeze %dma_wait3A_181 : memref<1x128xi32, #tpu.memory_space<vmem>> -> memref<128xi32, #tpu.memory_space<vmem>>
        %dma_wait3A_183 = arith.constant 0 : i32
        %dma_wait3A_184 = arith.constant 0 : i32
        %dma_wait3A_185 = tpu.memref_slice %arg12[%dma_wait3A_183, %dma_wait3A_184] : memref<10240x128xf32, #tpu.memory_space<vmem_shared>> -> memref<10240x128xf32, #tpu.memory_space<vmem_shared>>
        tpu.wait_indirect_dma semaphore(%run_scoped3A_173 : memref<!tpu.dma_semaphore, #tpu.memory_space<semaphore_mem>>) src(%arg9 : memref<128x128xf32, #tpu.memory_space<vmem>>) dst(%dma_wait3A_185 : memref<10240x128xf32, #tpu.memory_space<vmem_shared>>)
        tpu.yield
      }) : () -> ()
      %add3A_163 = arith.constant 3 : i32
      %add3A_164 = arith.addi %add3A_102, %add3A_163 : i32
      %mul3A_165 = arith.constant 128 : i32
      %mul3A_166 = arith.muli %add3A_164, %mul3A_165 : i32
      %dma_start3A_167 = arith.constant 0 : i32
      %dma_start3A_168 = tpu.memref_slice %arg3[%dma_start3A_167, %add3A, %mul3A_166] : memref<2x32x10000xi32, #tpu.memory_space<hbm>> -> memref<2x1x128xi32, #tpu.memory_space<hbm>>
      %dma_start3A_169 = tpu.memref_squeeze %dma_start3A_168 : memref<2x1x128xi32, #tpu.memory_space<hbm>> -> memref<2x128xi32, #tpu.memory_space<hbm>>
      %dma_start3A_170 = arith.constant 0 : i32
      %dma_start3A_171 = tpu.memref_slice %arg3[%dma_start3A_170, %add3A, %mul3A_166] : memref<2x32x10000xi32, #tpu.memory_space<hbm>> -> memref<2x1x128xi32, #tpu.memory_space<hbm>>
      %dma_start3A_172 = tpu.memref_squeeze %dma_start3A_171 : memref<2x1x128xi32, #tpu.memory_space<hbm>> -> memref<2x128xi32, #tpu.memory_space<hbm>>
      tpu.enqueue_dma source(%dma_start3A_172 : memref<2x128xi32, #tpu.memory_space<hbm>>) target(%arg7 : memref<2x128xi32, #tpu.memory_space<vmem>>) target_semaphore(%arg16 : memref<!tpu.dma_semaphore, #tpu.memory_space<semaphore_mem>>)
    }
    %scan3A_58 = arith.constant 38 : i32
    %dma_wait3A_59 = arith.constant 0 : i32
    %dma_wait3A_60 = arith.constant 0 : i32
    %dma_wait3A_61 = tpu.memref_slice %arg6[%dma_wait3A_59, %dma_wait3A_60] : memref<2x128xi32, #tpu.memory_space<vmem>> -> memref<1x128xi32, #tpu.memory_space<vmem>>
    %dma_wait3A_62 = tpu.memref_squeeze %dma_wait3A_61 : memref<1x128xi32, #tpu.memory_space<vmem>> -> memref<128xi32, #tpu.memory_space<vmem>>
    %dma_wait3A_63 = arith.constant 0 : i32
    %dma_wait3A_64 = arith.constant 0 : i32
    %dma_wait3A_65 = tpu.memref_slice %arg2[%dma_wait3A_63, %dma_wait3A_64] : memref<10000x128xf32, #tpu.memory_space<hbm>> -> memref<10000x128xf32, #tpu.memory_space<hbm>>
    tpu.wait_indirect_dma semaphore(%arg13 : memref<!tpu.dma_semaphore, #tpu.memory_space<semaphore_mem>>) src(%dma_wait3A_65 : memref<10000x128xf32, #tpu.memory_space<hbm>>) dst(%arg8 : memref<128x128xf32, #tpu.memory_space<vmem>>)
    %dma_wait3A_66 = arith.constant 0 : i32
    %dma_wait3A_67 = arith.constant 9856 : i32
    %dma_wait3A_68 = tpu.memref_slice %arg3[%dma_wait3A_66, %add3A, %dma_wait3A_67] : memref<2x32x10000xi32, #tpu.memory_space<hbm>> -> memref<2x1x128xi32, #tpu.memory_space<hbm>>
    %dma_wait3A_69 = tpu.memref_squeeze %dma_wait3A_68 : memref<2x1x128xi32, #tpu.memory_space<hbm>> -> memref<2x128xi32, #tpu.memory_space<hbm>>
    %dma_wait3A_70 = arith.constant 0 : i32
    %dma_wait3A_71 = arith.constant 9856 : i32
    %dma_wait3A_72 = tpu.memref_slice %arg3[%dma_wait3A_70, %add3A, %dma_wait3A_71] : memref<2x32x10000xi32, #tpu.memory_space<hbm>> -> memref<2x1x128xi32, #tpu.memory_space<hbm>>
    %dma_wait3A_73 = tpu.memref_squeeze %dma_wait3A_72 : memref<2x1x128xi32, #tpu.memory_space<hbm>> -> memref<2x128xi32, #tpu.memory_space<hbm>>
    tpu.wait_dma2 semaphore(%arg16 : memref<!tpu.dma_semaphore, #tpu.memory_space<semaphore_mem>>) src(%dma_wait3A_73 : memref<2x128xi32, #tpu.memory_space<hbm>>) dst(%arg7 : memref<2x128xi32, #tpu.memory_space<vmem>>)
    %dma_start3A_74 = arith.constant 0 : i32
    %dma_start3A_75 = arith.constant 0 : i32
    %dma_start3A_76 = tpu.memref_slice %arg7[%dma_start3A_74, %dma_start3A_75] : memref<2x128xi32, #tpu.memory_space<vmem>> -> memref<1x128xi32, #tpu.memory_space<vmem>>
    %dma_start3A_77 = tpu.memref_squeeze %dma_start3A_76 : memref<1x128xi32, #tpu.memory_space<vmem>> -> memref<128xi32, #tpu.memory_space<vmem>>
    %dma_start3A_78 = arith.constant 0 : i32
    %dma_start3A_79 = arith.constant 0 : i32
    %dma_start3A_80 = tpu.memref_slice %arg2[%dma_start3A_78, %dma_start3A_79] : memref<10000x128xf32, #tpu.memory_space<hbm>> -> memref<10000x128xf32, #tpu.memory_space<hbm>>
    tpu.enqueue_indirect_dma source(%dma_start3A_80 : memref<10000x128xf32, #tpu.memory_space<hbm>>) target(%arg9 : memref<128x128xf32, #tpu.memory_space<vmem>>) offsets(%dma_start3A_77 : memref<128xi32, #tpu.memory_space<vmem>>) semaphore(%arg14 : memref<!tpu.dma_semaphore, #tpu.memory_space<semaphore_mem>>)
    %run_scoped3A = arith.constant 1 : i32
    "tpu.region"() ({
      %run_scoped3A_98 = tpu.sem_alloc : memref<!tpu.dma_semaphore, #tpu.memory_space<semaphore_mem>>
      %dma_start3A_99 = arith.constant 0 : i32
      %dma_start3A_100 = tpu.memref_slice %arg6[%run_scoped3A, %dma_start3A_99] : memref<2x128xi32, #tpu.memory_space<vmem>> -> memref<1x128xi32, #tpu.memory_space<vmem>>
      %dma_start3A_101 = tpu.memref_squeeze %dma_start3A_100 : memref<1x128xi32, #tpu.memory_space<vmem>> -> memref<128xi32, #tpu.memory_space<vmem>>
      %dma_start3A_102 = arith.constant 0 : i32
      %dma_start3A_103 = arith.constant 0 : i32
      %dma_start3A_104 = tpu.memref_slice %arg12[%dma_start3A_102, %dma_start3A_103] : memref<10240x128xf32, #tpu.memory_space<vmem_shared>> -> memref<10240x128xf32, #tpu.memory_space<vmem_shared>>
      tpu.enqueue_indirect_dma source(%arg8 : memref<128x128xf32, #tpu.memory_space<vmem>>) target(%dma_start3A_104 : memref<10240x128xf32, #tpu.memory_space<vmem_shared>>) offsets(%dma_start3A_101 : memref<128xi32, #tpu.memory_space<vmem>>) semaphore(%run_scoped3A_98 : memref<!tpu.dma_semaphore, #tpu.memory_space<semaphore_mem>>) {add = true}
      %dma_wait3A_105 = arith.constant 0 : i32
      %dma_wait3A_106 = tpu.memref_slice %arg6[%run_scoped3A, %dma_wait3A_105] : memref<2x128xi32, #tpu.memory_space<vmem>> -> memref<1x128xi32, #tpu.memory_space<vmem>>
      %dma_wait3A_107 = tpu.memref_squeeze %dma_wait3A_106 : memref<1x128xi32, #tpu.memory_space<vmem>> -> memref<128xi32, #tpu.memory_space<vmem>>
      %dma_wait3A_108 = arith.constant 0 : i32
      %dma_wait3A_109 = arith.constant 0 : i32
      %dma_wait3A_110 = tpu.memref_slice %arg12[%dma_wait3A_108, %dma_wait3A_109] : memref<10240x128xf32, #tpu.memory_space<vmem_shared>> -> memref<10240x128xf32, #tpu.memory_space<vmem_shared>>
      tpu.wait_indirect_dma semaphore(%run_scoped3A_98 : memref<!tpu.dma_semaphore, #tpu.memory_space<semaphore_mem>>) src(%arg8 : memref<128x128xf32, #tpu.memory_space<vmem>>) dst(%dma_wait3A_110 : memref<10240x128xf32, #tpu.memory_space<vmem_shared>>)
      tpu.yield
    }) : () -> ()
    %dma_wait3A_81 = arith.constant 0 : i32
    %dma_wait3A_82 = arith.constant 0 : i32
    %dma_wait3A_83 = tpu.memref_slice %arg7[%dma_wait3A_81, %dma_wait3A_82] : memref<2x128xi32, #tpu.memory_space<vmem>> -> memref<1x128xi32, #tpu.memory_space<vmem>>
    %dma_wait3A_84 = tpu.memref_squeeze %dma_wait3A_83 : memref<1x128xi32, #tpu.memory_space<vmem>> -> memref<128xi32, #tpu.memory_space<vmem>>
    %dma_wait3A_85 = arith.constant 0 : i32
    %dma_wait3A_86 = arith.constant 0 : i32
    %dma_wait3A_87 = tpu.memref_slice %arg2[%dma_wait3A_85, %dma_wait3A_86] : memref<10000x128xf32, #tpu.memory_space<hbm>> -> memref<10000x128xf32, #tpu.memory_space<hbm>>
    tpu.wait_indirect_dma semaphore(%arg14 : memref<!tpu.dma_semaphore, #tpu.memory_space<semaphore_mem>>) src(%dma_wait3A_87 : memref<10000x128xf32, #tpu.memory_space<hbm>>) dst(%arg9 : memref<128x128xf32, #tpu.memory_space<vmem>>)
    %run_scoped3A_88 = arith.constant 1 : i32
    "tpu.region"() ({
      %run_scoped3A_98 = tpu.sem_alloc : memref<!tpu.dma_semaphore, #tpu.memory_space<semaphore_mem>>
      %dma_start3A_99 = arith.constant 0 : i32
      %dma_start3A_100 = tpu.memref_slice %arg7[%run_scoped3A_88, %dma_start3A_99] : memref<2x128xi32, #tpu.memory_space<vmem>> -> memref<1x128xi32, #tpu.memory_space<vmem>>
      %dma_start3A_101 = tpu.memref_squeeze %dma_start3A_100 : memref<1x128xi32, #tpu.memory_space<vmem>> -> memref<128xi32, #tpu.memory_space<vmem>>
      %dma_start3A_102 = arith.constant 0 : i32
      %dma_start3A_103 = arith.constant 0 : i32
      %dma_start3A_104 = tpu.memref_slice %arg12[%dma_start3A_102, %dma_start3A_103] : memref<10240x128xf32, #tpu.memory_space<vmem_shared>> -> memref<10240x128xf32, #tpu.memory_space<vmem_shared>>
      tpu.enqueue_indirect_dma source(%arg9 : memref<128x128xf32, #tpu.memory_space<vmem>>) target(%dma_start3A_104 : memref<10240x128xf32, #tpu.memory_space<vmem_shared>>) offsets(%dma_start3A_101 : memref<128xi32, #tpu.memory_space<vmem>>) semaphore(%run_scoped3A_98 : memref<!tpu.dma_semaphore, #tpu.memory_space<semaphore_mem>>) {add = true}
      %dma_wait3A_105 = arith.constant 0 : i32
      %dma_wait3A_106 = tpu.memref_slice %arg7[%run_scoped3A_88, %dma_wait3A_105] : memref<2x128xi32, #tpu.memory_space<vmem>> -> memref<1x128xi32, #tpu.memory_space<vmem>>
      %dma_wait3A_107 = tpu.memref_squeeze %dma_wait3A_106 : memref<1x128xi32, #tpu.memory_space<vmem>> -> memref<128xi32, #tpu.memory_space<vmem>>
      %dma_wait3A_108 = arith.constant 0 : i32
      %dma_wait3A_109 = arith.constant 0 : i32
      %dma_wait3A_110 = tpu.memref_slice %arg12[%dma_wait3A_108, %dma_wait3A_109] : memref<10240x128xf32, #tpu.memory_space<vmem_shared>> -> memref<10240x128xf32, #tpu.memory_space<vmem_shared>>
      tpu.wait_indirect_dma semaphore(%run_scoped3A_98 : memref<!tpu.dma_semaphore, #tpu.memory_space<semaphore_mem>>) src(%arg9 : memref<128x128xf32, #tpu.memory_space<vmem>>) dst(%dma_wait3A_110 : memref<10240x128xf32, #tpu.memory_space<vmem_shared>>)
      tpu.yield
    }) : () -> ()
    %dma_wait3A_89 = arith.constant 0 : i32
    %dma_wait3A_90 = arith.constant 0 : i32
    %dma_wait3A_91 = tpu.memref_slice %arg10[%dma_wait3A_89, %dma_wait3A_90] : memref<2x16xi32, #tpu.memory_space<vmem>> -> memref<1x16xi32, #tpu.memory_space<vmem>>
    %dma_wait3A_92 = tpu.memref_squeeze %dma_wait3A_91 : memref<1x16xi32, #tpu.memory_space<vmem>> -> memref<16xi32, #tpu.memory_space<vmem>>
    %dma_wait3A_93 = arith.constant 0 : i32
    %dma_wait3A_94 = arith.constant 0 : i32
    %dma_wait3A_95 = tpu.memref_slice %arg2[%dma_wait3A_93, %dma_wait3A_94] : memref<10000x128xf32, #tpu.memory_space<hbm>> -> memref<10000x128xf32, #tpu.memory_space<hbm>>
    tpu.wait_indirect_dma semaphore(%arg17 : memref<!tpu.dma_semaphore, #tpu.memory_space<semaphore_mem>>) src(%dma_wait3A_95 : memref<10000x128xf32, #tpu.memory_space<hbm>>) dst(%arg11 : memref<16x128xf32, #tpu.memory_space<vmem>>)
    %run_scoped3A_96 = arith.constant 1 : i32
    "tpu.region"() ({
      %run_scoped3A_98 = tpu.sem_alloc : memref<!tpu.dma_semaphore, #tpu.memory_space<semaphore_mem>>
      %dma_start3A_99 = arith.constant 0 : i32
      %dma_start3A_100 = tpu.memref_slice %arg10[%run_scoped3A_96, %dma_start3A_99] : memref<2x16xi32, #tpu.memory_space<vmem>> -> memref<1x16xi32, #tpu.memory_space<vmem>>
      %dma_start3A_101 = tpu.memref_squeeze %dma_start3A_100 : memref<1x16xi32, #tpu.memory_space<vmem>> -> memref<16xi32, #tpu.memory_space<vmem>>
      %dma_start3A_102 = arith.constant 0 : i32
      %dma_start3A_103 = arith.constant 0 : i32
      %dma_start3A_104 = tpu.memref_slice %arg12[%dma_start3A_102, %dma_start3A_103] : memref<10240x128xf32, #tpu.memory_space<vmem_shared>> -> memref<10240x128xf32, #tpu.memory_space<vmem_shared>>
      tpu.enqueue_indirect_dma source(%arg11 : memref<16x128xf32, #tpu.memory_space<vmem>>) target(%dma_start3A_104 : memref<10240x128xf32, #tpu.memory_space<vmem_shared>>) offsets(%dma_start3A_101 : memref<16xi32, #tpu.memory_space<vmem>>) semaphore(%run_scoped3A_98 : memref<!tpu.dma_semaphore, #tpu.memory_space<semaphore_mem>>) {add = true}
      %dma_wait3A_105 = arith.constant 0 : i32
      %dma_wait3A_106 = tpu.memref_slice %arg10[%run_scoped3A_96, %dma_wait3A_105] : memref<2x16xi32, #tpu.memory_space<vmem>> -> memref<1x16xi32, #tpu.memory_space<vmem>>
      %dma_wait3A_107 = tpu.memref_squeeze %dma_wait3A_106 : memref<1x16xi32, #tpu.memory_space<vmem>> -> memref<16xi32, #tpu.memory_space<vmem>>
      %dma_wait3A_108 = arith.constant 0 : i32
      %dma_wait3A_109 = arith.constant 0 : i32
      %dma_wait3A_110 = tpu.memref_slice %arg12[%dma_wait3A_108, %dma_wait3A_109] : memref<10240x128xf32, #tpu.memory_space<vmem_shared>> -> memref<10240x128xf32, #tpu.memory_space<vmem_shared>>
      tpu.wait_indirect_dma semaphore(%run_scoped3A_98 : memref<!tpu.dma_semaphore, #tpu.memory_space<semaphore_mem>>) src(%arg11 : memref<16x128xf32, #tpu.memory_space<vmem>>) dst(%dma_wait3A_110 : memref<10240x128xf32, #tpu.memory_space<vmem_shared>>)
      tpu.yield
    }) : () -> ()
    %barrier3A_97 = arith.constant 0 : index
    tpu.barrier barrier_id(%barrier3A_97)
    "tpu.region"() ({
      %run_scoped3A_98 = tpu.sem_alloc : memref<!tpu.dma_semaphore, #tpu.memory_space<semaphore_mem>>
      %dma_start3A_99 = arith.constant 0 : i32
      %dma_start3A_100 = tpu.memref_slice %arg5[%arg0, %mul3A_2, %dma_start3A_99] : memref<2x10240x128xf32, #tpu.memory_space<hbm>> -> memref<1x640x128xf32, #tpu.memory_space<hbm>>
      %dma_start3A_101 = tpu.memref_squeeze %dma_start3A_100 : memref<1x640x128xf32, #tpu.memory_space<hbm>> -> memref<640x128xf32, #tpu.memory_space<hbm>>
      %dma_start3A_102 = arith.constant 0 : i32
      %dma_start3A_103 = tpu.memref_slice %arg12[%mul3A_2, %dma_start3A_102] : memref<10240x128xf32, #tpu.memory_space<vmem_shared>> -> memref<640x128xf32, #tpu.memory_space<vmem_shared>>
      tpu.enqueue_dma source(%dma_start3A_103 : memref<640x128xf32, #tpu.memory_space<vmem_shared>>) target(%dma_start3A_101 : memref<640x128xf32, #tpu.memory_space<hbm>>) target_semaphore(%run_scoped3A_98 : memref<!tpu.dma_semaphore, #tpu.memory_space<semaphore_mem>>)
      %dma_wait3A_104 = arith.constant 0 : i32
      %dma_wait3A_105 = tpu.memref_slice %arg5[%arg0, %mul3A_2, %dma_wait3A_104] : memref<2x10240x128xf32, #tpu.memory_space<hbm>> -> memref<1x640x128xf32, #tpu.memory_space<hbm>>
      %dma_wait3A_106 = tpu.memref_squeeze %dma_wait3A_105 : memref<1x640x128xf32, #tpu.memory_space<hbm>> -> memref<640x128xf32, #tpu.memory_space<hbm>>
      %dma_wait3A_107 = arith.constant 0 : i32
      %dma_wait3A_108 = tpu.memref_slice %arg12[%mul3A_2, %dma_wait3A_107] : memref<10240x128xf32, #tpu.memory_space<vmem_shared>> -> memref<640x128xf32, #tpu.memory_space<vmem_shared>>
      tpu.wait_dma2 semaphore(%run_scoped3A_98 : memref<!tpu.dma_semaphore, #tpu.memory_space<semaphore_mem>>) src(%dma_wait3A_108 : memref<640x128xf32, #tpu.memory_space<vmem_shared>>) dst(%dma_wait3A_106 : memref<640x128xf32, #tpu.memory_space<hbm>>)
      tpu.yield
    }) : () -> ()
    return
  }
}

module attributes {stable_mosaic.version = 14 : i64} {
  func.func @mlp_kernel(%arg0: i32, %arg1: memref<1000x128xf32, #tpu.memory_space<vmem>>, %arg2: memref<1000x128xf32, #tpu.memory_space<vmem>>, %arg3: memref<1000x128xf32, #tpu.memory_space<vmem>>, %arg4: memref<128x256xf32, #tpu.memory_space<vmem>>, %arg5: memref<1x256xf32, #tpu.memory_space<vmem>>, %arg6: memref<256x128xf32, #tpu.memory_space<vmem>>, %arg7: memref<1x128xf32, #tpu.memory_space<vmem>>, %arg8: memref<1000x128xf32, #tpu.memory_space<vmem>>) attributes {dimension_semantics = [#tpu.dimension_semantics<arbitrary>], iteration_bounds = array<i64: 10>, scalar_prefetch = 0 : i64, scratch_operands = 0 : i64, tpu.core_type = #tpu.core_type<tc>, window_params = [{transform_indices = @transform_0, window_bounds = array<i64: 1000, 128>}, {transform_indices = @transform_1, window_bounds = array<i64: 1000, 128>}, {transform_indices = @transform_2, window_bounds = array<i64: 1000, 128>}, {pipeline_mode = #tpu.pipeline_mode<synchronous>, transform_indices = @transform_3, window_bounds = array<i64: 128, 256>}, {pipeline_mode = #tpu.pipeline_mode<synchronous>, transform_indices = @transform_4, window_bounds = array<i64: 1, 256>}, {pipeline_mode = #tpu.pipeline_mode<synchronous>, transform_indices = @transform_5, window_bounds = array<i64: 256, 128>}, {pipeline_mode = #tpu.pipeline_mode<synchronous>, transform_indices = @transform_6, window_bounds = array<i64: 1, 128>}, {transform_indices = @transform_7, window_bounds = array<i64: 1000, 128>}]} {
    %get3A = arith.constant 0 : index
    %get3A_0 = arith.constant 0 : index
    %get3A_1 = vector.load %arg1[%get3A, %get3A_0] : memref<1000x128xf32, #tpu.memory_space<vmem>>, vector<1000x128xf32>
    %get3A_2 = arith.constant 0 : index
    %get3A_3 = arith.constant 0 : index
    %get3A_4 = vector.load %arg2[%get3A_2, %get3A_3] : memref<1000x128xf32, #tpu.memory_space<vmem>>, vector<1000x128xf32>
    %add3A = arith.addf %get3A_1, %get3A_4 : vector<1000x128xf32>
    %get3A_5 = arith.constant 0 : index
    %get3A_6 = arith.constant 0 : index
    %get3A_7 = vector.load %arg3[%get3A_5, %get3A_6] : memref<1000x128xf32, #tpu.memory_space<vmem>>, vector<1000x128xf32>
    %add3A_8 = arith.addf %add3A, %get3A_7 : vector<1000x128xf32>
    %get3A_9 = arith.constant 0 : index
    %get3A_10 = arith.constant 0 : index
    %get3A_11 = vector.load %arg4[%get3A_9, %get3A_10] : memref<128x256xf32, #tpu.memory_space<vmem>>, vector<128x256xf32>
    %dot_general3A = arith.constant dense<0.000000e+00> : vector<1000x256xf32>
    %dot_general3A_12 = tpu.matmul %add3A_8, %get3A_11, %dot_general3A {dimension_numbers = #tpu.dot_dimension_numbers<[1], [0], [0], [1], [0, 0, 1, 1], [], []>, transpose_lhs_hint = false} : vector<1000x128xf32>, vector<128x256xf32>, vector<1000x256xf32> -> vector<1000x256xf32>
    %get3A_13 = arith.constant 0 : index
    %get3A_14 = arith.constant 0 : index
    %get3A_15 = vector.load %arg5[%get3A_13, %get3A_14] : memref<1x256xf32, #tpu.memory_space<vmem>>, vector<1x256xf32>
    %add3A_16 = vector.broadcast %get3A_15 : vector<1x256xf32> to vector<1000x256xf32>
    %add3A_17 = arith.addf %dot_general3A_12, %add3A_16 : vector<1000x256xf32>
    %gt3A = arith.constant 0.000000e+00 : f32
    %gt3A_18 = vector.broadcast %gt3A : f32 to vector<1000x256xf32>
    %gt3A_19 = arith.cmpf ogt, %add3A_17, %gt3A_18 : vector<1000x256xf32>
    %mul3A = arith.constant 2.000000e-01 : f32
    %mul3A_20 = vector.broadcast %mul3A : f32 to vector<1000x256xf32>
    %mul3A_21 = arith.mulf %mul3A_20, %add3A_17 : vector<1000x256xf32>
    %select_n3A = arith.select %gt3A_19, %add3A_17, %mul3A_21 : vector<1000x256xi1>, vector<1000x256xf32>
    %get3A_22 = arith.constant 0 : index
    %get3A_23 = arith.constant 0 : index
    %get3A_24 = vector.load %arg6[%get3A_22, %get3A_23] : memref<256x128xf32, #tpu.memory_space<vmem>>, vector<256x128xf32>
    %dot_general3A_25 = arith.constant dense<0.000000e+00> : vector<1000x128xf32>
    %dot_general3A_26 = tpu.matmul %select_n3A, %get3A_24, %dot_general3A_25 {dimension_numbers = #tpu.dot_dimension_numbers<[1], [0], [0], [1], [0, 0, 1, 1], [], []>, transpose_lhs_hint = false} : vector<1000x256xf32>, vector<256x128xf32>, vector<1000x128xf32> -> vector<1000x128xf32>
    %get3A_27 = arith.constant 0 : index
    %get3A_28 = arith.constant 0 : index
    %get3A_29 = vector.load %arg7[%get3A_27, %get3A_28] : memref<1x128xf32, #tpu.memory_space<vmem>>, vector<1x128xf32>
    %add3A_30 = vector.broadcast %get3A_29 : vector<1x128xf32> to vector<1000x128xf32>
    %add3A_31 = arith.addf %dot_general3A_26, %add3A_30 : vector<1000x128xf32>
    %gt3A_32 = arith.constant 0.000000e+00 : f32
    %gt3A_33 = vector.broadcast %gt3A_32 : f32 to vector<1000x128xf32>
    %gt3A_34 = arith.cmpf ogt, %add3A_31, %gt3A_33 : vector<1000x128xf32>
    %mul3A_35 = arith.constant 2.000000e-01 : f32
    %mul3A_36 = vector.broadcast %mul3A_35 : f32 to vector<1000x128xf32>
    %mul3A_37 = arith.mulf %mul3A_36, %add3A_31 : vector<1000x128xf32>
    %select_n3A_38 = arith.select %gt3A_34, %add3A_31, %mul3A_37 : vector<1000x128xi1>, vector<1000x128xf32>
    %swap3A = arith.constant 0 : index
    %swap3A_39 = arith.constant 0 : index
    %swap3A_40 = vector.load %arg8[%swap3A, %swap3A_39] : memref<1000x128xf32, #tpu.memory_space<vmem>>, vector<1000x128xf32>
    tpu.vector_store %arg8[%swap3A, %swap3A_39], %select_n3A_38 {strides = array<i32>} : memref<1000x128xf32, #tpu.memory_space<vmem>>, vector<1000x128xf32>,
    return
  }
  func.func @transform_0(%arg0: i32) -> (i32, i32) {
    %c0_i32 = arith.constant 0 : i32
    %c0_i32_0 = arith.constant 0 : i32
    return %arg0, %c0_i32 : i32, i32
  }
  func.func @transform_1(%arg0: i32) -> (i32, i32) {
    %c0_i32 = arith.constant 0 : i32
    %c0_i32_0 = arith.constant 0 : i32
    return %arg0, %c0_i32 : i32, i32
  }
  func.func @transform_2(%arg0: i32) -> (i32, i32) {
    %c0_i32 = arith.constant 0 : i32
    %c0_i32_0 = arith.constant 0 : i32
    return %arg0, %c0_i32 : i32, i32
  }
  func.func @transform_3(%arg0: i32) -> (i32, i32) {
    %c0_i32 = arith.constant 0 : i32
    %c0_i32_0 = arith.constant 0 : i32
    %c0_i32_1 = arith.constant 0 : i32
    return %c0_i32, %c0_i32_0 : i32, i32
  }
  func.func @transform_4(%arg0: i32) -> (i32, i32) {
    %c0_i32 = arith.constant 0 : i32
    %c0_i32_0 = arith.constant 0 : i32
    %c0_i32_1 = arith.constant 0 : i32
    return %c0_i32, %c0_i32_0 : i32, i32
  }
  func.func @transform_5(%arg0: i32) -> (i32, i32) {
    %c0_i32 = arith.constant 0 : i32
    %c0_i32_0 = arith.constant 0 : i32
    %c0_i32_1 = arith.constant 0 : i32
    return %c0_i32, %c0_i32_0 : i32, i32
  }
  func.func @transform_6(%arg0: i32) -> (i32, i32) {
    %c0_i32 = arith.constant 0 : i32
    %c0_i32_0 = arith.constant 0 : i32
    %c0_i32_1 = arith.constant 0 : i32
    return %c0_i32, %c0_i32_0 : i32, i32
  }
  func.func @transform_7(%arg0: i32) -> (i32, i32) {
    %c0_i32 = arith.constant 0 : i32
    %c0_i32_0 = arith.constant 0 : i32
    return %arg0, %c0_i32 : i32, i32
  }
}

module attributes {stable_mosaic.version = 14 : i64} {
  func.func @mlp_kernel(%arg0: i32, %arg1: memref<1000x128xf32, #tpu.memory_space<vmem>>, %arg2: memref<1000x128xf32, #tpu.memory_space<vmem>>, %arg3: memref<1000x128xf32, #tpu.memory_space<vmem>>, %arg4: memref<128x256xf32, #tpu.memory_space<vmem>>, %arg5: memref<1x256xf32, #tpu.memory_space<vmem>>, %arg6: memref<256x128xf32, #tpu.memory_space<vmem>>, %arg7: memref<1x128xf32, #tpu.memory_space<vmem>>, %arg8: memref<1000x128xf32, #tpu.memory_space<vmem>>) attributes {dimension_semantics = [#tpu.dimension_semantics<arbitrary>], iteration_bounds = array<i64: 10>, scalar_prefetch = 0 : i64, scratch_operands = 0 : i64, tpu.core_type = #tpu.core_type<tc>, window_params = [{transform_indices = @transform_0, window_bounds = array<i64: 1000, 128>}, {transform_indices = @transform_1, window_bounds = array<i64: 1000, 128>}, {transform_indices = @transform_2, window_bounds = array<i64: 1000, 128>}, {pipeline_mode = #tpu.pipeline_mode<synchronous>, transform_indices = @transform_3, window_bounds = array<i64: 128, 256>}, {pipeline_mode = #tpu.pipeline_mode<synchronous>, transform_indices = @transform_4, window_bounds = array<i64: 1, 256>}, {pipeline_mode = #tpu.pipeline_mode<synchronous>, transform_indices = @transform_5, window_bounds = array<i64: 256, 128>}, {pipeline_mode = #tpu.pipeline_mode<synchronous>, transform_indices = @transform_6, window_bounds = array<i64: 1, 128>}, {transform_indices = @transform_7, window_bounds = array<i64: 1000, 128>}]} {
    %get3A = arith.constant 0 : index
    %get3A_0 = arith.constant 0 : index
    %get3A_1 = vector.load %arg1[%get3A, %get3A_0] : memref<1000x128xf32, #tpu.memory_space<vmem>>, vector<1000x128xf32>
    %get3A_2 = arith.constant 0 : index
    %get3A_3 = arith.constant 0 : index
    %get3A_4 = vector.load %arg2[%get3A_2, %get3A_3] : memref<1000x128xf32, #tpu.memory_space<vmem>>, vector<1000x128xf32>
    %add3A = arith.addf %get3A_1, %get3A_4 : vector<1000x128xf32>
    %get3A_5 = arith.constant 0 : index
    %get3A_6 = arith.constant 0 : index
    %get3A_7 = vector.load %arg3[%get3A_5, %get3A_6] : memref<1000x128xf32, #tpu.memory_space<vmem>>, vector<1000x128xf32>
    %add3A_8 = arith.addf %add3A, %get3A_7 : vector<1000x128xf32>
    %get3A_9 = arith.constant 0 : index
    %get3A_10 = arith.constant 0 : index
    %get3A_11 = vector.load %arg4[%get3A_9, %get3A_10] : memref<128x256xf32, #tpu.memory_space<vmem>>, vector<128x256xf32>
    %dot_general3A = arith.constant dense<0.000000e+00> : vector<1000x256xf32>
    %dot_general3A_12 = tpu.matmul %add3A_8, %get3A_11, %dot_general3A {dimension_numbers = #tpu.dot_dimension_numbers<[1], [0], [0], [1], [0, 0, 1, 1], [], []>, transpose_lhs_hint = false} : vector<1000x128xf32>, vector<128x256xf32>, vector<1000x256xf32> -> vector<1000x256xf32>
    %get3A_13 = arith.constant 0 : index
    %get3A_14 = arith.constant 0 : index
    %get3A_15 = vector.load %arg5[%get3A_13, %get3A_14] : memref<1x256xf32, #tpu.memory_space<vmem>>, vector<1x256xf32>
    %add3A_16 = vector.broadcast %get3A_15 : vector<1x256xf32> to vector<1000x256xf32>
    %add3A_17 = arith.addf %dot_general3A_12, %add3A_16 : vector<1000x256xf32>
    %gt3A = arith.constant 0.000000e+00 : f32
    %gt3A_18 = vector.broadcast %gt3A : f32 to vector<1000x256xf32>
    %gt3A_19 = arith.cmpf ogt, %add3A_17, %gt3A_18 : vector<1000x256xf32>
    %mul3A = arith.constant 2.000000e-01 : f32
    %mul3A_20 = vector.broadcast %mul3A : f32 to vector<1000x256xf32>
    %mul3A_21 = arith.mulf %mul3A_20, %add3A_17 : vector<1000x256xf32>
    %select_n3A = arith.select %gt3A_19, %add3A_17, %mul3A_21 : vector<1000x256xi1>, vector<1000x256xf32>
    %get3A_22 = arith.constant 0 : index
    %get3A_23 = arith.constant 0 : index
    %get3A_24 = vector.load %arg6[%get3A_22, %get3A_23] : memref<256x128xf32, #tpu.memory_space<vmem>>, vector<256x128xf32>
    %dot_general3A_25 = arith.constant dense<0.000000e+00> : vector<1000x128xf32>
    %dot_general3A_26 = tpu.matmul %select_n3A, %get3A_24, %dot_general3A_25 {dimension_numbers = #tpu.dot_dimension_numbers<[1], [0], [0], [1], [0, 0, 1, 1], [], []>, transpose_lhs_hint = false} : vector<1000x256xf32>, vector<256x128xf32>, vector<1000x128xf32> -> vector<1000x128xf32>
    %get3A_27 = arith.constant 0 : index
    %get3A_28 = arith.constant 0 : index
    %get3A_29 = vector.load %arg7[%get3A_27, %get3A_28] : memref<1x128xf32, #tpu.memory_space<vmem>>, vector<1x128xf32>
    %add3A_30 = vector.broadcast %get3A_29 : vector<1x128xf32> to vector<1000x128xf32>
    %add3A_31 = arith.addf %dot_general3A_26, %add3A_30 : vector<1000x128xf32>
    %swap3A = arith.constant 0 : index
    %swap3A_32 = arith.constant 0 : index
    %swap3A_33 = vector.load %arg8[%swap3A, %swap3A_32] : memref<1000x128xf32, #tpu.memory_space<vmem>>, vector<1000x128xf32>
    tpu.vector_store %arg8[%swap3A, %swap3A_32], %add3A_31 {strides = array<i32>} : memref<1000x128xf32, #tpu.memory_space<vmem>>, vector<1000x128xf32>,
    return
  }
  func.func @transform_0(%arg0: i32) -> (i32, i32) {
    %c0_i32 = arith.constant 0 : i32
    %c0_i32_0 = arith.constant 0 : i32
    return %arg0, %c0_i32 : i32, i32
  }
  func.func @transform_1(%arg0: i32) -> (i32, i32) {
    %c0_i32 = arith.constant 0 : i32
    %c0_i32_0 = arith.constant 0 : i32
    return %arg0, %c0_i32 : i32, i32
  }
  func.func @transform_2(%arg0: i32) -> (i32, i32) {
    %c0_i32 = arith.constant 0 : i32
    %c0_i32_0 = arith.constant 0 : i32
    return %arg0, %c0_i32 : i32, i32
  }
  func.func @transform_3(%arg0: i32) -> (i32, i32) {
    %c0_i32 = arith.constant 0 : i32
    %c0_i32_0 = arith.constant 0 : i32
    %c0_i32_1 = arith.constant 0 : i32
    return %c0_i32, %c0_i32_0 : i32, i32
  }
  func.func @transform_4(%arg0: i32) -> (i32, i32) {
    %c0_i32 = arith.constant 0 : i32
    %c0_i32_0 = arith.constant 0 : i32
    %c0_i32_1 = arith.constant 0 : i32
    return %c0_i32, %c0_i32_0 : i32, i32
  }
  func.func @transform_5(%arg0: i32) -> (i32, i32) {
    %c0_i32 = arith.constant 0 : i32
    %c0_i32_0 = arith.constant 0 : i32
    %c0_i32_1 = arith.constant 0 : i32
    return %c0_i32, %c0_i32_0 : i32, i32
  }
  func.func @transform_6(%arg0: i32) -> (i32, i32) {
    %c0_i32 = arith.constant 0 : i32
    %c0_i32_0 = arith.constant 0 : i32
    %c0_i32_1 = arith.constant 0 : i32
    return %c0_i32, %c0_i32_0 : i32, i32
  }
  func.func @transform_7(%arg0: i32) -> (i32, i32) {
    %c0_i32 = arith.constant 0 : i32
    %c0_i32_0 = arith.constant 0 : i32
    return %arg0, %c0_i32 : i32, i32
  }
}

</mosaic_0001>

<sc_bundles>
// kernel: kernel.11.cloned.1.call-start
scs
__scs_entry_jumppad:
0x0: {  	(pc) =	sbr.rel $0x88, $3  }
0x1: {  	(tag) =	ssettag $0x0;
	lr =	simm.s32 $0x1  }
0x2: {  	[smem:$0x3F93] =	sst lr;
	_ =	strace $0xD0000000  }
0x3: {  	_ = 	snop  }
0x4: {  	_ = 	snop  }
0x5: {  	_ = 	snop  }
0x6: {  	_ = 	snop  }
0x7: {  	_ = 	snop  }
__scs_overlays_trampoline_lowered:
0x8: {  	[smem:$0x3FA2] =	sst s0  }
0x9: {  	[smem:$0x3FA3] =	sst s1  }
0xa: {  	[smem:$0x3FA4] =	sst s2  }
0xb: {  	[smem:$0x3FA5] =	sst s3  }
0xc: {  	[smem:$0x3FA6] =	sst s4  }
0xd: {  	[smem:$0x3FA7] =	sst s5  }
0xe: {  	[smem:$0x3FA8] =	sst s6  }
0xf: {  	[smem:$0x3FA9] =	sst s7  }
0x10: {  	[smem:$0x3FAA] =	sst s8  }
0x11: {  	[smem:$0x3FAB] =	sst s9;
	s0 =	simm.s32 @!p0 $0x0  }
0x12: {  	s1 =	sld [smem:$0x3F91];
	s0 =	simm.s32 @p0 $0x1  }
0x13: {  	[smem:$0x3FAC] =	sst s0;
	s0 =	simm.s32 @!p1 $0x0  }
0x14: {  	s2 =	sld [smem:$0x3F90];
	s0 =	simm.s32 @p1 $0x1  }
0x15: {  	[smem:$0x3FAD] =	sst s0;
	s0 =	simm.s32 @!p2 $0x0  }
0x16: {  	s3 =	sld [smem:$0x3FDB];
	s0 =	simm.s32 @p2 $0x1  }
0x17: {  	s4 =	simm.s32 $0x1BF5;
	[smem:$0x3FAF] =	sst s0  }
0x18: {  	s0 =	sld [smem:$0x3F92];
	_ =	swait.ge [sflag:s4], $0x0  }
0x19: {  	s7 =	sld [smem:$0x3F93]  }
0x1a: {  	s8 =	sadd.s32 $0xFFFFE003, lr  }
0x1b: {  	s9 =	sadd.s32 $0xFFFFFEF7, lr;
	s5 =	simm.s32 $0xFFFFFFFF;
	p2 =	slt.u32 s8, $0xFFFFF086  }
0x1c: {  	p1 =	slt.u32 s9, $0xF7A;
	s5 =	simm.s32 @!p2 $0x0  }
0x1d: {  	s5 =	simm.s32 @p1 $0x1;
	p0 =	seq.s32 s7, s2  }
0x1e: {  	s7 =	smul.u32 @!p0 $0xF7A, s2;
	p2 =	seq.s32 @!p0 s5, $0x0  }
0x1f: {  	s9 =	smul.u32 $0xF7A, s1;
	s8 =	simm.s32 @!p0 $0x1BF5;
	p2 =	por !p2, p0  }
0x20: {  	[sflag:s8] =	ssyncset.s32 @!p0 $0xFFFFF086;
	s6 =	sadd.s32 @!p0 s3, s7;
	s7 =	simm.s32 @!p0 $0x108  }
0x21: {  	s3 =	sadd.s32 s3, s9;
	s6 =	sadd.s32 @!p0 $0x88, s6;
	s7 =	simm.s32 @p2 $0x1082  }
0x22: {  	[simem:s7], [sflag:s8] =	dma.local @!p0 [hbm:s6], $0xF7A  }
0x23: {  	s9 =	sor.u32 $0xD0000000, s2;
	s6 =	simm.s32 $0x108;
	_ =	swait.ge @!p0 [sflag:s8], $0x0  }
0x24: {  	s3 =	sadd.s32 $0x88, s3;
	s6 =	simm.s32 @!p1 $0x1082;
	[sflag:s4] =	ssyncset.s32 $0xFFFFF086  }
0x25: {  	[simem:s6], [sflag:s4] =	dma.local [hbm:s3], $0xF7A  }
0x26: {  	[smem:$0x3F93] =	sst s1;
	(tag) =	ssettag s2;
	_ =	strace s9  }
0x27: {  	s1 =	sld [smem:$0x3FA3]  }
0x28: {  	s2 =	sld [smem:$0x3FA4]  }
0x29: {  	s4 =	sld [smem:$0x3FA6]  }
0x2a: {  	p0 =	seq.s32 s5, $0x0;
	s5 =	sld [smem:$0x3FA7]  }
0x2b: {  	s6 =	sld [smem:$0x3FA8]  }
0x2c: {  	s7 =	sld [smem:$0x3FA9]  }
0x2d: {  	s3 =	simm.s32 $0x108;
	s8 =	sld [smem:$0x3FAA]  }
0x2e: {  	s3 =	simm.s32 @!p0 $0x1082;
	s9 =	sld [smem:$0x3FAB]  }
0x2f: {  	lr =	sadd.s32 s0, s3;
	s0 =	sld [smem:$0x3FA2]  }
0x30: {  	s3 =	sld [smem:$0x3FA5]  }
0x31: {  	[smem:$0x3FAE] =	sst s10  }
0x32: {  	s10 =	sld [smem:$0x3FAC];
	_ =	sdelay $0x3  }
0x33: {  	p0 =	seq.s32 s10, $0x1;
	s10 =	sld [smem:$0x3FAE];
	_ =	sdelay $0x3  }
0x34: {  	[smem:$0x3FAE] =	sst s10  }
0x35: {  	s10 =	sld [smem:$0x3FAD];
	_ =	sdelay $0x3  }
0x36: {  	p1 =	seq.s32 s10, $0x1;
	s10 =	sld [smem:$0x3FAE];
	_ =	sdelay $0x3  }
0x37: {  	[smem:$0x3FAE] =	sst s10  }
0x38: {  	s10 =	sld [smem:$0x3FAF]  }
0x39: {  	_ = 	snop;
	(pc) =	sbr.ind lr, $3  }
0x3a: {  	_ = 	snop  }
0x3b: {  	_ = 	snop  }
0x3c: {  	p2 =	seq.s32 s10, $0x1;
	s10 =	sld [smem:$0x3FAE]  }
0x3d: {  	_ =	shalt  }
0x3e: {  	_ =	shalt  }
0x3f: {  	_ =	shalt  }
0x40: {  	_ =	shalt  }
0x41: {  	_ =	shalt  }
0x42: {  	_ =	shalt  }
0x43: {  	_ =	shalt  }
0x44: {  	_ =	shalt  }
0x45: {  	_ =	shalt  }
0x46: {  	_ =	shalt  }
0x47: {  	_ =	shalt  }
0x48: {  	_ =	shalt  }
0x49: {  	_ =	shalt  }
0x4a: {  	_ =	shalt  }
0x4b: {  	_ =	shalt  }
0x4c: {  	_ =	shalt  }
0x4d: {  	_ =	shalt  }
0x4e: {  	_ =	shalt  }
0x4f: {  	_ =	shalt  }
0x50: {  	_ =	shalt  }
0x51: {  	_ =	shalt  }
0x52: {  	_ =	shalt  }
0x53: {  	_ =	shalt  }
0x54: {  	_ =	shalt  }
0x55: {  	_ =	shalt  }
0x56: {  	_ =	shalt  }
0x57: {  	_ =	shalt  }
0x58: {  	_ =	shalt  }
0x59: {  	_ =	shalt  }
0x5a: {  	_ =	shalt  }
0x5b: {  	_ =	shalt  }
0x5c: {  	_ =	shalt  }
0x5d: {  	_ =	shalt  }
0x5e: {  	_ =	shalt  }
0x5f: {  	_ =	shalt  }
0x60: {  	_ =	shalt  }
0x61: {  	_ =	shalt  }
0x62: {  	_ =	shalt  }
0x63: {  	_ =	shalt  }
0x64: {  	_ =	shalt  }
0x65: {  	_ =	shalt  }
0x66: {  	_ =	shalt  }
0x67: {  	_ =	shalt  }
0x68: {  	_ =	shalt  }
0x69: {  	_ =	shalt  }
0x6a: {  	_ =	shalt  }
0x6b: {  	_ =	shalt  }
0x6c: {  	_ =	shalt  }
0x6d: {  	_ =	shalt  }
0x6e: {  	_ =	shalt  }
0x6f: {  	_ =	shalt  }
0x70: {  	_ =	shalt  }
0x71: {  	_ =	shalt  }
0x72: {  	_ =	shalt  }
0x73: {  	_ =	shalt  }
0x74: {  	_ =	shalt  }
0x75: {  	_ =	shalt  }
0x76: {  	_ =	shalt  }
0x77: {  	_ =	shalt  }
0x78: {  	_ =	shalt  }
0x79: {  	_ =	shalt  }
0x7a: {  	_ =	shalt  }
0x7b: {  	_ =	shalt  }
0x7c: {  	_ =	shalt  }
0x7d: {  	_ =	shalt  }
0x7e: {  	_ =	shalt  }
0x7f: {  	_ =	shalt  }
0x80: {  	_ =	shalt  }
0x81: {  	_ =	shalt  }
0x82: {  	_ =	shalt  }
0x83: {  	_ =	shalt  }
0x84: {  	_ =	shalt  }
0x85: {  	_ =	shalt  }
0x86: {  	_ =	shalt  }
0x87: {  	_ =	shalt  }
.Lfunc_end0:
.L_simem_size_0:
called_computation.1_lowered:
.L_overlay_start_0:
0x88: {  	s2 =	sld [smem:$0x3FD9]  }
0x89: {  	s3 =	sld [smem:$0x3FFE];
	_ =	sdelay $0x1  }
0x8a: {  	s1 =	srdreg.scid  }
0x8b: {  	s0 =	sand.u32 $0x1, s1  }
0x8c: {  	s17 =	sshll.u32 s0, $0xA;
	s2 =	sadd.s32 s3, s2  }
0x8d: {  	s2 =	sadd.s32 s2, s17  }
0x8e: {  	[smem:$0x3FBA] =	sst s2  }
0x8f: {  	_ = 	snop  }
0x90: {  	s2 =	sld [smem:$0x3FD0];
	(tm) =	ssettm $0x1  }
0x91: {  	s18 =	sld [smem:$0x3FFB];
	_ =	sdelay $0x3  }
0x92: {  	_ =	strace s18  }
0x93: {  	s3 =	sld [smem:$0x3FFC];
	_ =	sdelay $0x3  }
0x94: {  	_ =	strace s3  }
0x95: {  	s3 =	sld [smem:$0x3FFD];
	_ =	sdelay $0x3  }
0x96: {  	_ =	strace s3  }
0x97: {  	_ =	strace $0x8FFFFFFF  }
0x98: {  	s19 =	sld [smem:$0x3FDB];
	_ =	sdelay $0x1  }
0x99: {  	s4 =	simm.s32 $_scs_section_size  }
0x9a: {  	s5 =	simm.s32 $_size__tile_overlayer_lowered;
	s6 =	simm.s32 $_tile_overlayer_lowered  }
0x9b: {  	s22 =	simm.s32 $0x1BFF;
	s21 =	sshll.u32 s6, $0x1;
	s3 =	sadd.s32 s4, s19  }
0x9c: {  	s7 =	simm.s32 $0x0;
	s20 =	sshll.u32 s5, $0x1;
	s5 =	sadd.s32 s21, s3  }
0x9d: {  	[timem:s7], [sflag:s22] =	dma.local [hbm:s5], s20  }
0x9e: {  	_ =	swait.ge [sflag:s22], s20  }
0x9f: {  	s4 =	ssub.s32 $0x0, s20;
	[sflag:s22] =	ssyncset.done $0x0  }
0xa0: {  	[sflag:s22] =	ssyncadd.s32 s4;
	_ =	sdelay $0x1  }
0xa1: {  	s23 =	simm.s32 $0x1B8B  }
0xa2: {  	_ =	swait.ge [sflag:s23], $0x1  }
0xa3: {  	[sflag:s23] =	ssyncset.done $0x0  }
0xa4: {  	s25 =	simm.s32 $0x1B8E;
	s24 =	sld [smem:$0x3FFE];
	[sflag:s23] =	ssyncadd.s32 $0xFFFFFFFF  }
0xa5: {  	s26 =	simm.s32 $execute0_lowered;
	[smem:$0x3FD2] =	sst s25  }
0xa6: {  	s5 =	sshll.u32 s26, $0x1;
	_ =	strace $0x80000049;
	[dreg:$0x1] =	wrdreg $0xFFFFFFFF  }
0xa7: {  	s28 =	simm.s32 $_size_execute0_lowered;
	s3 =	sadd.s32 s3, s5;
	[dreg:$0x0] =	wrdreg $0x0  }
0xa8: {  	s5 =	sshll.u32 s28, $0x1;
	[dreg:$0x2] =	wrdreg s3  }
0xa9: {  	[dreg:$0x3] =	wrdreg s5  }
0xaa: {  	[dreg:$0x4] =	wrdreg $0xC0  }
0xab: {  	_ =	task [dreg:s7], $0x5FFFF  }
0xac: {  	[dreg:$0x1] =	wrdreg $0xFFFFFFFF  }
0xad: {  	[dreg:$0x0] =	wrdreg $0x60  }
0xae: {  	[dreg:$0x2] =	wrdreg s2  }
0xaf: {  	[dreg:$0x3] =	wrdreg s24  }
0xb0: {  	[dreg:$0x4] =	wrdreg $0x8B000  }
0xb1: {  	[dreg:$0x5] =	wrdreg $0x9  }
0xb2: {  	_ =	task.clear_ibuf [dreg:s7], $0x6FFFF;
	_ =	strace $0x90000049  }
0xb3: {  	s29 =	simm.s32 $0x9;
	_ =	strace $0x8000004B  }
0xb4: {  	_ =	swait.ge [sflag:s29], $0x1  }
0xb5: {  	[sflag:s29] =	ssyncadd.s32 $0xFFFFFFFF  }
0xb6: {  	_ =	strace $0x9000004B  }
0xb7: {  	_ =	sfence  }
0xb8: {  	s30 =	sld [smem:$0x0];
	_ =	sdelay $0x2  }
0xb9: {  	s31 =	sshll.u32 s1, $0xD;
	s1 =	sshrl.u32 s1, $0x2  }
0xba: {  	s3 =	sand.u32 $0x4000, s31;
	s1 =	sadd.s32 s1, s30  }
0xbb: {  	s0 =	sor.u32 s3, s0;
	s1 =	sshll.u32 s1, $0x11  }
0xbc: {  	s0 =	sor.u32 s1, s0  }
0xbd: {  	s0 =	sadd.s32 $0x8F2B, s0  }
0xbe: {  	[sflag:s0] =	ssyncadd.remote.s32 $0x1  }
0xbf: {  	_ =	sfence.sel $0xFFFF  }
0xc0: {  	[dreg:$0x0] =	wrdreg $0xFFFFFFFF;
	(pc) =	sbr.abs _section_cstart, $3  }
0xc1: {  	[dreg:$0x1] =	wrdreg $0xFFFFFFFF  }
0xc2: {  	_ =	task.clear_ibuf [dreg:s7], $0x2FFFF;
	_ =	strace $0x9FFFFFFF  }
0xc3: {  	(tm) =	ssettm $0x7FFFFFFF  }
tec
execute0_lowered:
.L_overlay_start_1:
0x0: {  	(tag) =	ssettag $0x1  }
0x1: {  	s1 =	rddreg [dreg:$0x0]  }
0x2: {  	s0 =	rddreg [dreg:$0x1]  }
0x3: {  	s2 =	rddreg [dreg:$0x2]  }
0x4: {  	s3 =	srdreg.scid;
	s4 =	simm.s32 $0x0;
	s12 =	stileid.u32  }
0x5: {  	s15 =	simm.s32 $0x80;
	s16 =	simm.s32 $0x4F000;
	s17 =	simm.s32 $0x8200  }
0x6: {  	s28 =	simm.s32 $0x4200;
	s29 =	simm.s32 $0x2;
	s30 =	simm.s32 $0x180  }
0x7: {  	s3 =	sand.u32 $0x1, s3;
	[smem:$0x7FF] =	sst s4;
	s6 =	smul.u32 $0x14000, s12  }
0x8: {  	s10 =	sshll.u32 s12, $0x7;
	s5 =	sshll.u32 s3, $0x4;
	_ =	strace $0x8000004A  }
0x9: {  	s8 =	smul.u32 $0x140000, s3;
	s18 =	sand.u32 $0x380, s10;
	s3 =	ssub.s32 $0x2, s3  }
0xa: {  	s25 =	sor.u32 $0xC00, s10;
	s7 =	sor.u32 s12, s5;
	s5 =	sadd.s32 $0x4000, s0  }
0xb: {  	s9 =	sshrl.u32 s6, $0x3;
	s19 =	sshrl.u32 s3, $0x1;
	s12 =	smul.u32 $0x50000, s12  }
0xc: {  	s7 =	sshrl.u32 s7, $0x3;
	s11 =	sadd.s32 s9, s0;
	s6 =	sadd.s32 s6, s8  }
0xd: {  	s3 =	ssub.s32 s3, s19;
	s19 =	simm.s32 $0x200;
	s7 =	smul.u32 $0x13C00, s7  }
0xe: {  	s6 =	sshrl.u32 s6, $0x3;
	s26 =	sshrl.u32 s12, $0x2;
	s10 =	sadd.s32 $0x17C00, s11  }
0xf: {  	s12 =	smax.u32 s3, $0x1;
	s0 =	sadd.s32 s6, s0;
	s8 =	sor.u32 s18, s7  }
0x10: {  	s7 =	sadd.s32 s7, s25;
	s11 =	sadd.s32 $0x3FC00, s0;
	s18 =	simm.s32 $0x3  }
0x11: {  	s25 =	simm.s32 $0x1;
	s0 =	simm.s32 $0x0;
	s20 =	sshrl.u32 s8, $0x3  }
0x12: {  	s22 =	sadd.s32 $0x13800, s8;
	s23 =	sadd.s32 $0x400, s8;
	s31 =	sshrl.u32 s7, $0x3  }
0x13: {  	s14 =	sadd.s32 $0x800, s8;
	s21 =	sadd.s32 s5, s20;
	s6 =	sshrl.u32 s22, $0x3  }
0x14: {  	s24 =	sshrl.u32 s23, $0x3;
	s13 =	sadd.s32 s31, s5;
	s20 =	simm.s32 $0x100  }
0x15: {  	s22 =	simm.s32 $0x10;
	[dreg:$0x4] =	wrdreg s21;
	s6 =	sadd.s32 s5, s6  }
0x16: {  	s23 =	simm.s32 $0x8300;
	[dreg:$0x5] =	wrdreg s6;
	s6 =	sadd.s32 s5, s24  }
0x17: {  	s21 =	simm.s32 $0x5;
	[dreg:$0x6] =	wrdreg s6;
	s6 =	sadd.s32 s26, s2  }
0x18: {  	s24 =	simm.s32 $0x6;
	s26 =	simm.s32 $0x4;
	[dreg:$0x7] =	wrdreg s6  }
.LBB2_1:
0x19: {  	s3 =	rddreg [dreg:$0x4]  }
0x1a: {  	[tilespmem:s4], [sflag:$0x3] =	stream.strided.gather [hbm4b:s3+s15], $0x100, s16, s15, $0x38;
	[tilespmem:$0x1CB00] =	vst v63  }
0x1b: {  	s6 =	rddreg [dreg:$0x5]  }
0x1c: {  	[tilespmem:s17], [sflag:$0x5] =	stream.strided.gather [hbm4b:s6+s15], $0x100, s16, s15, $0x38;
	[tilespmem:$0x1CB00] =	vst v63  }
0x1d: {  	_ =	swait.ge [sflag:s18], $0x100  }
0x1e: {  	[sflag:s18] =	ssyncset.done $0x0  }
0x1f: {  	[sflag:s18] =	ssyncadd.s32 $0xFFFFFF00  }
0x20: {  	[tilespmem:s19], [sflag:$0x1] =	stream.indirect.gather [hbm4b:s1+s15], $0x80, s4, s15, $0xb8;
	[tilespmem:$0x1CB00] =	vst v63  }
0x21: {  	s7 =	rddreg [dreg:$0x6]  }
0x22: {  	[tilespmem:s20], [sflag:$0x4] =	stream.strided.gather [hbm4b:s7+s15], $0x100, s16, s15, $0x38;
	[tilespmem:$0x1CB00] =	vst v63  }
0x23: {  	s8 =	stileid.u32;
	_ =	swait.ge [sflag:s21], $0x100  }
0x24: {  	s3 =	sshll.u32 s8, $0x6;
	[sflag:s21] =	ssyncset.done $0x0;
	s6 =	rddreg [dreg:$0x7]  }
0x25: {  	s3 =	sor.u32 $0x1C06, s3;
	[sflag:s21] =	ssyncadd.s32 $0xFFFFFF00;
	s31 =	sshrl.u32 s6, $0x3  }
0x26: {  	[tilespmem:s23], [sflag:$0x5] =	stream.indirect.gather [hbm4b:s1+s22], $0x80, s17, s22, $0xb8;
	[tilespmem:$0x1CB00] =	vst v63  }
0x27: {  	[spmem:s31], [sflag:s3] =	dma.local [hbm:s10], $0x2800  }
0x28: {  	_ =	swait.ge [sflag:s24], $0x2800  }
0x29: {  	[sflag:s24] =	ssyncset.done $0x0  }
0x2a: {  	[sflag:s24] =	ssyncadd.s32 $0xFFFFD800  }
0x2b: {  	[bflag:$0x0] =	sbarrier.arrive $0xFFFF  }
0x2c: {  	_ =	swait.ge [sflag:s25], $0x4000  }
0x2d: {  	[sflag:s25] =	ssyncset.done $0x0  }
0x2e: {  	[sflag:s25] =	ssyncadd.s32 $0xFFFFC000  }
0x2f: {  	_ =	swait.ge [sflag:s26], $0x100  }
0x30: {  	[sflag:s26] =	ssyncset.done $0x0  }
0x31: {  	[sflag:s26] =	ssyncadd.s32 $0xFFFFFF00  }
0x32: {  	[tilespmem:s28], [sflag:$0x2] =	stream.indirect.gather [hbm4b:s1+s15], $0x80, s20, s15, $0xb8;
	[tilespmem:$0x1CB00] =	vst v63  }
0x33: {  	_ = 	snop  }
0x34: {  	[spmem:s2] =	stream.indirect.scatter.add.f32 [tilespmem:s19], [sflag:$0x6], $0x80, s15, s15, $0xb8;
	[tilespmem:$0x1CB00] =	vst v63  }
0x35: {  	_ =	swait.ge [sflag:s24], $0x4000  }
0x36: {  	s9 =	sshrl.u32 s14, $0x3;
	[sflag:s24] =	ssyncset.done $0x0  }
0x37: {  	s6 =	sadd.s32 s5, s9;
	[sflag:s24] =	ssyncadd.s32 $0xFFFFC000  }
0x38: {  	[tilespmem:s4], [sflag:$0x3] =	stream.strided.gather [hbm4b:s6+s15], $0x100, s16, s15, $0x38;
	[tilespmem:$0x1CB00] =	vst v63  }
0x39: {  	_ =	swait.ge [sflag:s29], $0x4000  }
0x3a: {  	[sflag:s29] =	ssyncset.done $0x0  }
0x3b: {  	[sflag:s29] =	ssyncadd.s32 $0xFFFFC000  }
0x3c: {  	_ =	swait.ge [sflag:s18], $0x100  }
0x3d: {  	[sflag:s18] =	ssyncset.done $0x0  }
0x3e: {  	[sflag:s18] =	ssyncadd.s32 $0xFFFFFF00  }
0x3f: {  	[tilespmem:s19], [sflag:$0x1] =	stream.indirect.gather [hbm4b:s1+s15], $0x80, s4, s15, $0xb8;
	[tilespmem:$0x1CB00] =	vst v63  }
0x40: {  	_ = 	snop  }
0x41: {  	[spmem:s2] =	stream.indirect.scatter.add.f32 [tilespmem:s28], [sflag:$0x6], $0x80, s30, s15, $0xb8;
	[tilespmem:$0x1CB00] =	vst v63  }
0x42: {  	_ =	swait.ge [sflag:s24], $0x4000  }
0x43: {  	s8 =	sadd.s32 $0x0, s13;
	[sflag:s24] =	ssyncset.done $0x0  }
0x44: {  	s7 =	sadd.s32 $0x800, s14;
	s6 =	simm.s32 $0x100;
	[sflag:s24] =	ssyncadd.s32 $0xFFFFC000  }
.LBB2_2:
0x45: {  	[tilespmem:s20], [sflag:$0x4] =	stream.strided.gather [hbm4b:s8+s15], $0x100, s16, s15, $0x38;
	[tilespmem:$0x1CB00] =	vst v63  }
0x46: {  	s8 =	smov.u32 s6  }
0x47: {  	p0 =	sne.s32 s6, $0x2500;
	s6 =	sadd.s32 $0x100, s6;
	_ =	swait.ge [sflag:s25], $0x4000  }
0x48: {  	[sflag:s25] =	ssyncset.done $0x0  }
0x49: {  	[sflag:s25] =	ssyncadd.s32 $0xFFFFC000  }
0x4a: {  	_ =	swait.ge [sflag:s26], $0x100  }
0x4b: {  	[sflag:s26] =	ssyncset.done $0x0  }
0x4c: {  	[sflag:s26] =	ssyncadd.s32 $0xFFFFFF00  }
0x4d: {  	[tilespmem:s28], [sflag:$0x2] =	stream.indirect.gather [hbm4b:s1+s15], $0x80, s20, s15, $0xb8;
	[tilespmem:$0x1CB00] =	vst v63  }
0x4e: {  	_ = 	snop  }
0x4f: {  	[spmem:s2] =	stream.indirect.scatter.add.f32 [tilespmem:s19], [sflag:$0x6], $0x80, s15, s15, $0xb8;
	[tilespmem:$0x1CB00] =	vst v63  }
0x50: {  	_ =	swait.ge [sflag:s24], $0x4000  }
0x51: {  	s9 =	sshrl.u32 s7, $0x3;
	[sflag:s24] =	ssyncset.done $0x0  }
0x52: {  	s9 =	sadd.s32 s5, s9;
	[sflag:s24] =	ssyncadd.s32 $0xFFFFC000  }
0x53: {  	[tilespmem:s4], [sflag:$0x3] =	stream.strided.gather [hbm4b:s9+s15], $0x100, s16, s15, $0x38;
	[tilespmem:$0x1CB00] =	vst v63  }
0x54: {  	_ =	swait.ge [sflag:s29], $0x4000  }
0x55: {  	[sflag:s29] =	ssyncset.done $0x0  }
0x56: {  	[sflag:s29] =	ssyncadd.s32 $0xFFFFC000  }
0x57: {  	_ =	swait.ge [sflag:s18], $0x100  }
0x58: {  	[sflag:s18] =	ssyncset.done $0x0  }
0x59: {  	[sflag:s18] =	ssyncadd.s32 $0xFFFFFF00  }
0x5a: {  	[tilespmem:s19], [sflag:$0x1] =	stream.indirect.gather [hbm4b:s1+s15], $0x80, s4, s15, $0xb8;
	[tilespmem:$0x1CB00] =	vst v63  }
.Ltmp0:
0x5b: {  	(pc) =	sbr.rel @p0 .LBB2_2-.Ltmp0, $4  }
0x5c: {  	[spmem:s2] =	stream.indirect.scatter.add.f32 [tilespmem:s28], [sflag:$0x6], $0x80, s30, s15, $0xb8;
	[tilespmem:$0x1CB00] =	vst v63  }
0x5d: {  	_ =	swait.ge [sflag:s24], $0x4000  }
0x5e: {  	[sflag:s24] =	ssyncset.done $0x0  }
0x5f: {  	s7 =	sadd.s32 $0x800, s7;
	s8 =	sadd.s32 s8, s13;
	[sflag:s24] =	ssyncadd.s32 $0xFFFFC000  }
0x60: {  	[tilespmem:s20], [sflag:$0x4] =	stream.strided.gather [hbm4b:s8+s15], $0x100, s16, s15, $0x38;
	[tilespmem:$0x1CB00] =	vst v63  }
0x61: {  	_ =	swait.ge [sflag:s25], $0x4000  }
0x62: {  	[sflag:s25] =	ssyncset.done $0x0  }
0x63: {  	[sflag:s25] =	ssyncadd.s32 $0xFFFFC000  }
0x64: {  	_ =	swait.ge [sflag:s26], $0x100  }
0x65: {  	[sflag:s26] =	ssyncset.done $0x0  }
0x66: {  	[sflag:s26] =	ssyncadd.s32 $0xFFFFFF00  }
0x67: {  	[tilespmem:s28], [sflag:$0x2] =	stream.indirect.gather [hbm4b:s1+s15], $0x80, s20, s15, $0xb8;
	[tilespmem:$0x1CB00] =	vst v63  }
0x68: {  	_ = 	snop  }
0x69: {  	[spmem:s2] =	stream.indirect.scatter.add.f32 [tilespmem:s19], [sflag:$0x6], $0x80, s15, s15, $0xb8;
	[tilespmem:$0x1CB00] =	vst v63  }
0x6a: {  	_ =	swait.ge [sflag:s24], $0x4000  }
0x6b: {  	[sflag:s24] =	ssyncset.done $0x0  }
0x6c: {  	[sflag:s24] =	ssyncadd.s32 $0xFFFFC000  }
0x6d: {  	_ =	swait.ge [sflag:s29], $0x4000  }
0x6e: {  	[sflag:s29] =	ssyncset.done $0x0  }
0x6f: {  	[sflag:s29] =	ssyncadd.s32 $0xFFFFC000  }
0x70: {  	[spmem:s2] =	stream.indirect.scatter.add.f32 [tilespmem:s28], [sflag:$0x6], $0x80, s30, s15, $0xb8;
	[tilespmem:$0x1CB00] =	vst v63  }
0x71: {  	_ =	swait.ge [sflag:s24], $0x4000  }
0x72: {  	[sflag:s24] =	ssyncset.done $0x0  }
0x73: {  	[sflag:s24] =	ssyncadd.s32 $0xFFFFC000  }
0x74: {  	_ =	swait.ge [sflag:s21], $0x800  }
0x75: {  	[sflag:s21] =	ssyncset.done $0x0  }
0x76: {  	s6 =	simm.s32 $0x8280;
	[sflag:s21] =	ssyncadd.s32 $0xFFFFF800  }
0x77: {  	[spmem:s2] =	stream.indirect.scatter.add.f32 [tilespmem:s23], [sflag:$0x6], $0x80, s6, s22, $0xb8;
	[tilespmem:$0x1CB00] =	vst v63  }
0x78: {  	_ =	swait.ge [sflag:s24], $0x800  }
0x79: {  	s0 =	sadd.s32 $0x1, s0;
	[sflag:s24] =	ssyncset.done $0x0  }
0x7a: {  	p0 =	sne.s32 s0, s12;
	[sflag:s24] =	ssyncadd.s32 $0xFFFFF800  }
.Ltmp1:
0x7b: {  	[bflag:$0x0] =	sbarrier.arrive $0xFFFF;
	(pc) =	sbr.rel @p0 .LBB2_1-.Ltmp1, $4  }
0x7c: {  	[hbm:s11], [sflag:s3] =	dma.local [spmem:s31], $0x2800  }
0x7d: {  	_ =	swait.ge [sflag:s24], $0x2800  }
0x7e: {  	[sflag:s24] =	ssyncset.done $0x0  }
0x7f: {  	[sflag:s24] =	ssyncadd.s32 $0xFFFFD800  }
0x80: {  	_ =	sfence.sel $0x180000  }
0x81: {  	[bflag:$0x0] =	sbarrier.arrive $0xFFFF  }
0x82: {  	_ =	strace $0x9000004A  }
0x83: {  	s0 =	stileid.u32;
	[bflag:$0x2] =	sbarrier.arrive $0xFFFF  }
0x84: {  	p0 =	sne.s32 s0, $0x0;
	s0 =	rddreg [dreg:$0x3]  }
0x85: {  	s0 =	sadd.s32 @!p0 $0x100000, s0  }
0x86: {  	[sflag:s0] =	ssyncadd.tile.s32 @!p0 $0x1;
	_ =	shalt  }
.Lfunc_end2:
_tile_overlayer_lowered:
.L_overlay_start_2:
0x87: {  	(tag) =	ssettag $0x2  }
0x88: {  	s0 =	rddreg [dreg:$0x0];
	s2 =	stileid.u32  }
0x89: {  	s1 =	rddreg [dreg:$0x1];
	p0 =	sne.s32 s2, $0x0  }
0x8a: {  	s3 =	rddreg [dreg:$0x2];
	[bflag:$0x3] =	sbarrier.arrive $0xFFFF;
	s2 =	simm.s32 @!p0 $0x1C06  }
0x8b: {  	[timem:s3], [sflag:s2] =	dma.local @!p0 [hbm:s0], s1  }
0x8c: {  	s0 =	simm.s32 @!p0 $0x6  }
0x8d: {  	_ =	swait.ge @!p0 [sflag:s0], s1  }
0x8e: {  	s1 =	ssub.s32 @!p0 $0x0, s1;
	[sflag:s0] =	ssyncset.done @!p0 $0x0  }
0x8f: {  	[sflag:s0] =	ssyncadd.s32 @!p0 s1  }
0x90: {  	[bflag:$0x3] =	sbarrier.arrive $0xFFFF  }
0x91: {  	_ =	shalt  }

// kernel: kernel.14.cloned.1.call-start
scs
__scs_entry_jumppad:
0x0: {  	(pc) =	sbr.rel $0x88, $3  }
0x1: {  	(tag) =	ssettag $0x0;
	lr =	simm.s32 $0x1  }
0x2: {  	[smem:$0x3F93] =	sst lr;
	_ =	strace $0xD0000000  }
0x3: {  	_ = 	snop  }
0x4: {  	_ = 	snop  }
0x5: {  	_ = 	snop  }
0x6: {  	_ = 	snop  }
0x7: {  	_ = 	snop  }
__scs_overlays_trampoline_lowered:
0x8: {  	[smem:$0x3FA2] =	sst s0  }
0x9: {  	[smem:$0x3FA3] =	sst s1  }
0xa: {  	[smem:$0x3FA4] =	sst s2  }
0xb: {  	[smem:$0x3FA5] =	sst s3  }
0xc: {  	[smem:$0x3FA6] =	sst s4  }
0xd: {  	[smem:$0x3FA7] =	sst s5  }
0xe: {  	[smem:$0x3FA8] =	sst s6  }
0xf: {  	[smem:$0x3FA9] =	sst s7  }
0x10: {  	[smem:$0x3FAA] =	sst s8  }
0x11: {  	[smem:$0x3FAB] =	sst s9;
	s0 =	simm.s32 @!p0 $0x0  }
0x12: {  	s1 =	sld [smem:$0x3F91];
	s0 =	simm.s32 @p0 $0x1  }
0x13: {  	[smem:$0x3FAC] =	sst s0;
	s0 =	simm.s32 @!p1 $0x0  }
0x14: {  	s2 =	sld [smem:$0x3F90];
	s0 =	simm.s32 @p1 $0x1  }
0x15: {  	[smem:$0x3FAD] =	sst s0;
	s0 =	simm.s32 @!p2 $0x0  }
0x16: {  	s3 =	sld [smem:$0x3FDB];
	s0 =	simm.s32 @p2 $0x1  }
0x17: {  	s4 =	simm.s32 $0x1BF5;
	[smem:$0x3FAF] =	sst s0  }
0x18: {  	s0 =	sld [smem:$0x3F92];
	_ =	swait.ge [sflag:s4], $0x0  }
0x19: {  	s7 =	sld [smem:$0x3F93]  }
0x1a: {  	s8 =	sadd.s32 $0xFFFFE003, lr  }
0x1b: {  	s9 =	sadd.s32 $0xFFFFFEF7, lr;
	s5 =	simm.s32 $0xFFFFFFFF;
	p2 =	slt.u32 s8, $0xFFFFF086  }
0x1c: {  	p1 =	slt.u32 s9, $0xF7A;
	s5 =	simm.s32 @!p2 $0x0  }
0x1d: {  	s5 =	simm.s32 @p1 $0x1;
	p0 =	seq.s32 s7, s2  }
0x1e: {  	s7 =	smul.u32 @!p0 $0xF7A, s2;
	p2 =	seq.s32 @!p0 s5, $0x0  }
0x1f: {  	s9 =	smul.u32 $0xF7A, s1;
	s8 =	simm.s32 @!p0 $0x1BF5;
	p2 =	por !p2, p0  }
0x20: {  	[sflag:s8] =	ssyncset.s32 @!p0 $0xFFFFF086;
	s6 =	sadd.s32 @!p0 s3, s7;
	s7 =	simm.s32 @!p0 $0x108  }
0x21: {  	s3 =	sadd.s32 s3, s9;
	s6 =	sadd.s32 @!p0 $0x88, s6;
	s7 =	simm.s32 @p2 $0x1082  }
0x22: {  	[simem:s7], [sflag:s8] =	dma.local @!p0 [hbm:s6], $0xF7A  }
0x23: {  	s9 =	sor.u32 $0xD0000000, s2;
	s6 =	simm.s32 $0x108;
	_ =	swait.ge @!p0 [sflag:s8], $0x0  }
0x24: {  	s3 =	sadd.s32 $0x88, s3;
	s6 =	simm.s32 @!p1 $0x1082;
	[sflag:s4] =	ssyncset.s32 $0xFFFFF086  }
0x25: {  	[simem:s6], [sflag:s4] =	dma.local [hbm:s3], $0xF7A  }
0x26: {  	[smem:$0x3F93] =	sst s1;
	(tag) =	ssettag s2;
	_ =	strace s9  }
0x27: {  	s1 =	sld [smem:$0x3FA3]  }
0x28: {  	s2 =	sld [smem:$0x3FA4]  }
0x29: {  	s4 =	sld [smem:$0x3FA6]  }
0x2a: {  	p0 =	seq.s32 s5, $0x0;
	s5 =	sld [smem:$0x3FA7]  }
0x2b: {  	s6 =	sld [smem:$0x3FA8]  }
0x2c: {  	s7 =	sld [smem:$0x3FA9]  }
0x2d: {  	s3 =	simm.s32 $0x108;
	s8 =	sld [smem:$0x3FAA]  }
0x2e: {  	s3 =	simm.s32 @!p0 $0x1082;
	s9 =	sld [smem:$0x3FAB]  }
0x2f: {  	lr =	sadd.s32 s0, s3;
	s0 =	sld [smem:$0x3FA2]  }
0x30: {  	s3 =	sld [smem:$0x3FA5]  }
0x31: {  	[smem:$0x3FAE] =	sst s10  }
0x32: {  	s10 =	sld [smem:$0x3FAC];
	_ =	sdelay $0x3  }
0x33: {  	p0 =	seq.s32 s10, $0x1;
	s10 =	sld [smem:$0x3FAE];
	_ =	sdelay $0x3  }
0x34: {  	[smem:$0x3FAE] =	sst s10  }
0x35: {  	s10 =	sld [smem:$0x3FAD];
	_ =	sdelay $0x3  }
0x36: {  	p1 =	seq.s32 s10, $0x1;
	s10 =	sld [smem:$0x3FAE];
	_ =	sdelay $0x3  }
0x37: {  	[smem:$0x3FAE] =	sst s10  }
0x38: {  	s10 =	sld [smem:$0x3FAF]  }
0x39: {  	_ = 	snop;
	(pc) =	sbr.ind lr, $3  }
0x3a: {  	_ = 	snop  }
0x3b: {  	_ = 	snop  }
0x3c: {  	p2 =	seq.s32 s10, $0x1;
	s10 =	sld [smem:$0x3FAE]  }
0x3d: {  	_ =	shalt  }
0x3e: {  	_ =	shalt  }
0x3f: {  	_ =	shalt  }
0x40: {  	_ =	shalt  }
0x41: {  	_ =	shalt  }
0x42: {  	_ =	shalt  }
0x43: {  	_ =	shalt  }
0x44: {  	_ =	shalt  }
0x45: {  	_ =	shalt  }
0x46: {  	_ =	shalt  }
0x47: {  	_ =	shalt  }
0x48: {  	_ =	shalt  }
0x49: {  	_ =	shalt  }
0x4a: {  	_ =	shalt  }
0x4b: {  	_ =	shalt  }
0x4c: {  	_ =	shalt  }
0x4d: {  	_ =	shalt  }
0x4e: {  	_ =	shalt  }
0x4f: {  	_ =	shalt  }
0x50: {  	_ =	shalt  }
0x51: {  	_ =	shalt  }
0x52: {  	_ =	shalt  }
0x53: {  	_ =	shalt  }
0x54: {  	_ =	shalt  }
0x55: {  	_ =	shalt  }
0x56: {  	_ =	shalt  }
0x57: {  	_ =	shalt  }
0x58: {  	_ =	shalt  }
0x59: {  	_ =	shalt  }
0x5a: {  	_ =	shalt  }
0x5b: {  	_ =	shalt  }
0x5c: {  	_ =	shalt  }
0x5d: {  	_ =	shalt  }
0x5e: {  	_ =	shalt  }
0x5f: {  	_ =	shalt  }
0x60: {  	_ =	shalt  }
0x61: {  	_ =	shalt  }
0x62: {  	_ =	shalt  }
0x63: {  	_ =	shalt  }
0x64: {  	_ =	shalt  }
0x65: {  	_ =	shalt  }
0x66: {  	_ =	shalt  }
0x67: {  	_ =	shalt  }
0x68: {  	_ =	shalt  }
0x69: {  	_ =	shalt  }
0x6a: {  	_ =	shalt  }
0x6b: {  	_ =	shalt  }
0x6c: {  	_ =	shalt  }
0x6d: {  	_ =	shalt  }
0x6e: {  	_ =	shalt  }
0x6f: {  	_ =	shalt  }
0x70: {  	_ =	shalt  }
0x71: {  	_ =	shalt  }
0x72: {  	_ =	shalt  }
0x73: {  	_ =	shalt  }
0x74: {  	_ =	shalt  }
0x75: {  	_ =	shalt  }
0x76: {  	_ =	shalt  }
0x77: {  	_ =	shalt  }
0x78: {  	_ =	shalt  }
0x79: {  	_ =	shalt  }
0x7a: {  	_ =	shalt  }
0x7b: {  	_ =	shalt  }
0x7c: {  	_ =	shalt  }
0x7d: {  	_ =	shalt  }
0x7e: {  	_ =	shalt  }
0x7f: {  	_ =	shalt  }
0x80: {  	_ =	shalt  }
0x81: {  	_ =	shalt  }
0x82: {  	_ =	shalt  }
0x83: {  	_ =	shalt  }
0x84: {  	_ =	shalt  }
0x85: {  	_ =	shalt  }
0x86: {  	_ =	shalt  }
0x87: {  	_ =	shalt  }
.Lfunc_end0:
.L_simem_size_0:
called_computation.2_lowered:
.L_overlay_start_0:
0x88: {  	s2 =	sld [smem:$0x3FD9]  }
0x89: {  	s3 =	sld [smem:$0x3FFE];
	_ =	sdelay $0x1  }
0x8a: {  	s1 =	srdreg.scid  }
0x8b: {  	s0 =	sand.u32 $0x1, s1  }
0x8c: {  	s17 =	sshll.u32 s0, $0xA;
	s2 =	sadd.s32 s3, s2  }
0x8d: {  	s2 =	sadd.s32 s2, s17  }
0x8e: {  	[smem:$0x3FBA] =	sst s2  }
0x8f: {  	_ = 	snop  }
0x90: {  	s2 =	sld [smem:$0x3FD0];
	(tm) =	ssettm $0x1  }
0x91: {  	s18 =	sld [smem:$0x3FFB];
	_ =	sdelay $0x3  }
0x92: {  	_ =	strace s18  }
0x93: {  	s3 =	sld [smem:$0x3FFC];
	_ =	sdelay $0x3  }
0x94: {  	_ =	strace s3  }
0x95: {  	s3 =	sld [smem:$0x3FFD];
	_ =	sdelay $0x3  }
0x96: {  	_ =	strace s3  }
0x97: {  	_ =	strace $0x8FFFFFFF  }
0x98: {  	s19 =	sld [smem:$0x3FDB];
	_ =	sdelay $0x1  }
0x99: {  	s4 =	simm.s32 $_scs_section_size  }
0x9a: {  	s5 =	simm.s32 $_size__tile_overlayer_lowered;
	s6 =	simm.s32 $_tile_overlayer_lowered  }
0x9b: {  	s22 =	simm.s32 $0x1BFF;
	s21 =	sshll.u32 s6, $0x1;
	s3 =	sadd.s32 s4, s19  }
0x9c: {  	s7 =	simm.s32 $0x0;
	s20 =	sshll.u32 s5, $0x1;
	s5 =	sadd.s32 s21, s3  }
0x9d: {  	[timem:s7], [sflag:s22] =	dma.local [hbm:s5], s20  }
0x9e: {  	_ =	swait.ge [sflag:s22], s20  }
0x9f: {  	s4 =	ssub.s32 $0x0, s20;
	[sflag:s22] =	ssyncset.done $0x0  }
0xa0: {  	[sflag:s22] =	ssyncadd.s32 s4;
	_ =	sdelay $0x1  }
0xa1: {  	s23 =	simm.s32 $0x1B8B  }
0xa2: {  	_ =	swait.ge [sflag:s23], $0x1  }
0xa3: {  	[sflag:s23] =	ssyncset.done $0x0  }
0xa4: {  	s25 =	simm.s32 $0x1B8E;
	s24 =	sld [smem:$0x3FFE];
	[sflag:s23] =	ssyncadd.s32 $0xFFFFFFFF  }
0xa5: {  	s26 =	simm.s32 $execute0_lowered;
	[smem:$0x3FD2] =	sst s25  }
0xa6: {  	s5 =	sshll.u32 s26, $0x1;
	_ =	strace $0x8000004C;
	[dreg:$0x1] =	wrdreg $0xFFFFFFFF  }
0xa7: {  	s28 =	simm.s32 $_size_execute0_lowered;
	s3 =	sadd.s32 s3, s5;
	[dreg:$0x0] =	wrdreg $0x0  }
0xa8: {  	s5 =	sshll.u32 s28, $0x1;
	[dreg:$0x2] =	wrdreg s3  }
0xa9: {  	[dreg:$0x3] =	wrdreg s5  }
0xaa: {  	[dreg:$0x4] =	wrdreg $0xC0  }
0xab: {  	_ =	task [dreg:s7], $0x5FFFF  }
0xac: {  	[dreg:$0x1] =	wrdreg $0xFFFFFFFF  }
0xad: {  	[dreg:$0x0] =	wrdreg $0x60  }
0xae: {  	[dreg:$0x2] =	wrdreg s2  }
0xaf: {  	[dreg:$0x3] =	wrdreg s24  }
0xb0: {  	[dreg:$0x4] =	wrdreg $0x8B000  }
0xb1: {  	[dreg:$0x5] =	wrdreg $0x9  }
0xb2: {  	_ =	task.clear_ibuf [dreg:s7], $0x6FFFF;
	_ =	strace $0x9000004C  }
0xb3: {  	s29 =	simm.s32 $0x9;
	_ =	strace $0x8000004E  }
0xb4: {  	_ =	swait.ge [sflag:s29], $0x1  }
0xb5: {  	[sflag:s29] =	ssyncadd.s32 $0xFFFFFFFF  }
0xb6: {  	_ =	strace $0x9000004E  }
0xb7: {  	_ =	sfence  }
0xb8: {  	s30 =	sld [smem:$0x0];
	_ =	sdelay $0x2  }
0xb9: {  	s31 =	sshll.u32 s1, $0xD;
	s1 =	sshrl.u32 s1, $0x2  }
0xba: {  	s3 =	sand.u32 $0x4000, s31;
	s1 =	sadd.s32 s1, s30  }
0xbb: {  	s0 =	sor.u32 s3, s0;
	s1 =	sshll.u32 s1, $0x11  }
0xbc: {  	s0 =	sor.u32 s1, s0  }
0xbd: {  	s0 =	sadd.s32 $0x8F2B, s0  }
0xbe: {  	[sflag:s0] =	ssyncadd.remote.s32 $0x1  }
0xbf: {  	_ =	sfence.sel $0xFFFF  }
0xc0: {  	[dreg:$0x0] =	wrdreg $0xFFFFFFFF;
	(pc) =	sbr.abs _section_cstart, $3  }
0xc1: {  	[dreg:$0x1] =	wrdreg $0xFFFFFFFF  }
0xc2: {  	_ =	task.clear_ibuf [dreg:s7], $0x2FFFF;
	_ =	strace $0x9FFFFFFF  }
0xc3: {  	(tm) =	ssettm $0x7FFFFFFF  }
tec
execute0_lowered:
.L_overlay_start_1:
0x0: {  	(tag) =	ssettag $0x1  }
0x1: {  	s1 =	rddreg [dreg:$0x0]  }
0x2: {  	s0 =	rddreg [dreg:$0x1]  }
0x3: {  	s2 =	rddreg [dreg:$0x2]  }
0x4: {  	s3 =	srdreg.scid;
	s4 =	simm.s32 $0x0;
	s12 =	stileid.u32  }
0x5: {  	s15 =	simm.s32 $0x80;
	s16 =	simm.s32 $0x4F000;
	s17 =	simm.s32 $0x8200  }
0x6: {  	s28 =	simm.s32 $0x4200;
	s29 =	simm.s32 $0x2;
	s30 =	simm.s32 $0x180  }
0x7: {  	s3 =	sand.u32 $0x1, s3;
	[smem:$0x7FF] =	sst s4;
	s6 =	smul.u32 $0x14000, s12  }
0x8: {  	s10 =	sshll.u32 s12, $0x7;
	s5 =	sshll.u32 s3, $0x4;
	_ =	strace $0x8000004D  }
0x9: {  	s8 =	smul.u32 $0x140000, s3;
	s18 =	sand.u32 $0x380, s10;
	s3 =	ssub.s32 $0x2, s3  }
0xa: {  	s25 =	sor.u32 $0xC00, s10;
	s7 =	sor.u32 s12, s5;
	s5 =	sadd.s32 $0x4000, s0  }
0xb: {  	s9 =	sshrl.u32 s6, $0x3;
	s19 =	sshrl.u32 s3, $0x1;
	s12 =	smul.u32 $0x50000, s12  }
0xc: {  	s7 =	sshrl.u32 s7, $0x3;
	s11 =	sadd.s32 s9, s0;
	s6 =	sadd.s32 s6, s8  }
0xd: {  	s3 =	ssub.s32 s3, s19;
	s19 =	simm.s32 $0x200;
	s7 =	smul.u32 $0x13C00, s7  }
0xe: {  	s6 =	sshrl.u32 s6, $0x3;
	s26 =	sshrl.u32 s12, $0x2;
	s10 =	sadd.s32 $0x17C00, s11  }
0xf: {  	s12 =	smax.u32 s3, $0x1;
	s0 =	sadd.s32 s6, s0;
	s8 =	sor.u32 s18, s7  }
0x10: {  	s7 =	sadd.s32 s7, s25;
	s11 =	sadd.s32 $0x3FC00, s0;
	s18 =	simm.s32 $0x3  }
0x11: {  	s25 =	simm.s32 $0x1;
	s0 =	simm.s32 $0x0;
	s20 =	sshrl.u32 s8, $0x3  }
0x12: {  	s22 =	sadd.s32 $0x13800, s8;
	s23 =	sadd.s32 $0x400, s8;
	s31 =	sshrl.u32 s7, $0x3  }
0x13: {  	s14 =	sadd.s32 $0x800, s8;
	s21 =	sadd.s32 s5, s20;
	s6 =	sshrl.u32 s22, $0x3  }
0x14: {  	s24 =	sshrl.u32 s23, $0x3;
	s13 =	sadd.s32 s31, s5;
	s20 =	simm.s32 $0x100  }
0x15: {  	s22 =	simm.s32 $0x10;
	[dreg:$0x4] =	wrdreg s21;
	s6 =	sadd.s32 s5, s6  }
0x16: {  	s23 =	simm.s32 $0x8300;
	[dreg:$0x5] =	wrdreg s6;
	s6 =	sadd.s32 s5, s24  }
0x17: {  	s21 =	simm.s32 $0x5;
	[dreg:$0x6] =	wrdreg s6;
	s6 =	sadd.s32 s26, s2  }
0x18: {  	s24 =	simm.s32 $0x6;
	s26 =	simm.s32 $0x4;
	[dreg:$0x7] =	wrdreg s6  }
.LBB2_1:
0x19: {  	s3 =	rddreg [dreg:$0x4]  }
0x1a: {  	[tilespmem:s4], [sflag:$0x3] =	stream.strided.gather [hbm4b:s3+s15], $0x100, s16, s15, $0x38;
	[tilespmem:$0x1CB00] =	vst v63  }
0x1b: {  	s6 =	rddreg [dreg:$0x5]  }
0x1c: {  	[tilespmem:s17], [sflag:$0x5] =	stream.strided.gather [hbm4b:s6+s15], $0x100, s16, s15, $0x38;
	[tilespmem:$0x1CB00] =	vst v63  }
0x1d: {  	_ =	swait.ge [sflag:s18], $0x100  }
0x1e: {  	[sflag:s18] =	ssyncset.done $0x0  }
0x1f: {  	[sflag:s18] =	ssyncadd.s32 $0xFFFFFF00  }
0x20: {  	[tilespmem:s19], [sflag:$0x1] =	stream.indirect.gather [hbm4b:s1+s15], $0x80, s4, s15, $0xb8;
	[tilespmem:$0x1CB00] =	vst v63  }
0x21: {  	s7 =	rddreg [dreg:$0x6]  }
0x22: {  	[tilespmem:s20], [sflag:$0x4] =	stream.strided.gather [hbm4b:s7+s15], $0x100, s16, s15, $0x38;
	[tilespmem:$0x1CB00] =	vst v63  }
0x23: {  	s8 =	stileid.u32;
	_ =	swait.ge [sflag:s21], $0x100  }
0x24: {  	s3 =	sshll.u32 s8, $0x6;
	[sflag:s21] =	ssyncset.done $0x0;
	s6 =	rddreg [dreg:$0x7]  }
0x25: {  	s3 =	sor.u32 $0x1C06, s3;
	[sflag:s21] =	ssyncadd.s32 $0xFFFFFF00;
	s31 =	sshrl.u32 s6, $0x3  }
0x26: {  	[tilespmem:s23], [sflag:$0x5] =	stream.indirect.gather [hbm4b:s1+s22], $0x80, s17, s22, $0xb8;
	[tilespmem:$0x1CB00] =	vst v63  }
0x27: {  	[spmem:s31], [sflag:s3] =	dma.local [hbm:s10], $0x2800  }
0x28: {  	_ =	swait.ge [sflag:s24], $0x2800  }
0x29: {  	[sflag:s24] =	ssyncset.done $0x0  }
0x2a: {  	[sflag:s24] =	ssyncadd.s32 $0xFFFFD800  }
0x2b: {  	[bflag:$0x0] =	sbarrier.arrive $0xFFFF  }
0x2c: {  	_ =	swait.ge [sflag:s25], $0x4000  }
0x2d: {  	[sflag:s25] =	ssyncset.done $0x0  }
0x2e: {  	[sflag:s25] =	ssyncadd.s32 $0xFFFFC000  }
0x2f: {  	_ =	swait.ge [sflag:s26], $0x100  }
0x30: {  	[sflag:s26] =	ssyncset.done $0x0  }
0x31: {  	[sflag:s26] =	ssyncadd.s32 $0xFFFFFF00  }
0x32: {  	[tilespmem:s28], [sflag:$0x2] =	stream.indirect.gather [hbm4b:s1+s15], $0x80, s20, s15, $0xb8;
	[tilespmem:$0x1CB00] =	vst v63  }
0x33: {  	_ = 	snop  }
0x34: {  	[spmem:s2] =	stream.indirect.scatter.add.f32 [tilespmem:s19], [sflag:$0x6], $0x80, s15, s15, $0xb8;
	[tilespmem:$0x1CB00] =	vst v63  }
0x35: {  	_ =	swait.ge [sflag:s24], $0x4000  }
0x36: {  	s9 =	sshrl.u32 s14, $0x3;
	[sflag:s24] =	ssyncset.done $0x0  }
0x37: {  	s6 =	sadd.s32 s5, s9;
	[sflag:s24] =	ssyncadd.s32 $0xFFFFC000  }
0x38: {  	[tilespmem:s4], [sflag:$0x3] =	stream.strided.gather [hbm4b:s6+s15], $0x100, s16, s15, $0x38;
	[tilespmem:$0x1CB00] =	vst v63  }
0x39: {  	_ =	swait.ge [sflag:s29], $0x4000  }
0x3a: {  	[sflag:s29] =	ssyncset.done $0x0  }
0x3b: {  	[sflag:s29] =	ssyncadd.s32 $0xFFFFC000  }
0x3c: {  	_ =	swait.ge [sflag:s18], $0x100  }
0x3d: {  	[sflag:s18] =	ssyncset.done $0x0  }
0x3e: {  	[sflag:s18] =	ssyncadd.s32 $0xFFFFFF00  }
0x3f: {  	[tilespmem:s19], [sflag:$0x1] =	stream.indirect.gather [hbm4b:s1+s15], $0x80, s4, s15, $0xb8;
	[tilespmem:$0x1CB00] =	vst v63  }
0x40: {  	_ = 	snop  }
0x41: {  	[spmem:s2] =	stream.indirect.scatter.add.f32 [tilespmem:s28], [sflag:$0x6], $0x80, s30, s15, $0xb8;
	[tilespmem:$0x1CB00] =	vst v63  }
0x42: {  	_ =	swait.ge [sflag:s24], $0x4000  }
0x43: {  	s8 =	sadd.s32 $0x0, s13;
	[sflag:s24] =	ssyncset.done $0x0  }
0x44: {  	s7 =	sadd.s32 $0x800, s14;
	s6 =	simm.s32 $0x100;
	[sflag:s24] =	ssyncadd.s32 $0xFFFFC000  }
.LBB2_2:
0x45: {  	[tilespmem:s20], [sflag:$0x4] =	stream.strided.gather [hbm4b:s8+s15], $0x100, s16, s15, $0x38;
	[tilespmem:$0x1CB00] =	vst v63  }
0x46: {  	s8 =	smov.u32 s6  }
0x47: {  	p0 =	sne.s32 s6, $0x2500;
	s6 =	sadd.s32 $0x100, s6;
	_ =	swait.ge [sflag:s25], $0x4000  }
0x48: {  	[sflag:s25] =	ssyncset.done $0x0  }
0x49: {  	[sflag:s25] =	ssyncadd.s32 $0xFFFFC000  }
0x4a: {  	_ =	swait.ge [sflag:s26], $0x100  }
0x4b: {  	[sflag:s26] =	ssyncset.done $0x0  }
0x4c: {  	[sflag:s26] =	ssyncadd.s32 $0xFFFFFF00  }
0x4d: {  	[tilespmem:s28], [sflag:$0x2] =	stream.indirect.gather [hbm4b:s1+s15], $0x80, s20, s15, $0xb8;
	[tilespmem:$0x1CB00] =	vst v63  }
0x4e: {  	_ = 	snop  }
0x4f: {  	[spmem:s2] =	stream.indirect.scatter.add.f32 [tilespmem:s19], [sflag:$0x6], $0x80, s15, s15, $0xb8;
	[tilespmem:$0x1CB00] =	vst v63  }
0x50: {  	_ =	swait.ge [sflag:s24], $0x4000  }
0x51: {  	s9 =	sshrl.u32 s7, $0x3;
	[sflag:s24] =	ssyncset.done $0x0  }
0x52: {  	s9 =	sadd.s32 s5, s9;
	[sflag:s24] =	ssyncadd.s32 $0xFFFFC000  }
0x53: {  	[tilespmem:s4], [sflag:$0x3] =	stream.strided.gather [hbm4b:s9+s15], $0x100, s16, s15, $0x38;
	[tilespmem:$0x1CB00] =	vst v63  }
0x54: {  	_ =	swait.ge [sflag:s29], $0x4000  }
0x55: {  	[sflag:s29] =	ssyncset.done $0x0  }
0x56: {  	[sflag:s29] =	ssyncadd.s32 $0xFFFFC000  }
0x57: {  	_ =	swait.ge [sflag:s18], $0x100  }
0x58: {  	[sflag:s18] =	ssyncset.done $0x0  }
0x59: {  	[sflag:s18] =	ssyncadd.s32 $0xFFFFFF00  }
0x5a: {  	[tilespmem:s19], [sflag:$0x1] =	stream.indirect.gather [hbm4b:s1+s15], $0x80, s4, s15, $0xb8;
	[tilespmem:$0x1CB00] =	vst v63  }
.Ltmp0:
0x5b: {  	(pc) =	sbr.rel @p0 .LBB2_2-.Ltmp0, $4  }
0x5c: {  	[spmem:s2] =	stream.indirect.scatter.add.f32 [tilespmem:s28], [sflag:$0x6], $0x80, s30, s15, $0xb8;
	[tilespmem:$0x1CB00] =	vst v63  }
0x5d: {  	_ =	swait.ge [sflag:s24], $0x4000  }
0x5e: {  	[sflag:s24] =	ssyncset.done $0x0  }
0x5f: {  	s7 =	sadd.s32 $0x800, s7;
	s8 =	sadd.s32 s8, s13;
	[sflag:s24] =	ssyncadd.s32 $0xFFFFC000  }
0x60: {  	[tilespmem:s20], [sflag:$0x4] =	stream.strided.gather [hbm4b:s8+s15], $0x100, s16, s15, $0x38;
	[tilespmem:$0x1CB00] =	vst v63  }
0x61: {  	_ =	swait.ge [sflag:s25], $0x4000  }
0x62: {  	[sflag:s25] =	ssyncset.done $0x0  }
0x63: {  	[sflag:s25] =	ssyncadd.s32 $0xFFFFC000  }
0x64: {  	_ =	swait.ge [sflag:s26], $0x100  }
0x65: {  	[sflag:s26] =	ssyncset.done $0x0  }
0x66: {  	[sflag:s26] =	ssyncadd.s32 $0xFFFFFF00  }
0x67: {  	[tilespmem:s28], [sflag:$0x2] =	stream.indirect.gather [hbm4b:s1+s15], $0x80, s20, s15, $0xb8;
	[tilespmem:$0x1CB00] =	vst v63  }
0x68: {  	_ = 	snop  }
0x69: {  	[spmem:s2] =	stream.indirect.scatter.add.f32 [tilespmem:s19], [sflag:$0x6], $0x80, s15, s15, $0xb8;
	[tilespmem:$0x1CB00] =	vst v63  }
0x6a: {  	_ =	swait.ge [sflag:s24], $0x4000  }
0x6b: {  	[sflag:s24] =	ssyncset.done $0x0  }
0x6c: {  	[sflag:s24] =	ssyncadd.s32 $0xFFFFC000  }
0x6d: {  	_ =	swait.ge [sflag:s29], $0x4000  }
0x6e: {  	[sflag:s29] =	ssyncset.done $0x0  }
0x6f: {  	[sflag:s29] =	ssyncadd.s32 $0xFFFFC000  }
0x70: {  	[spmem:s2] =	stream.indirect.scatter.add.f32 [tilespmem:s28], [sflag:$0x6], $0x80, s30, s15, $0xb8;
	[tilespmem:$0x1CB00] =	vst v63  }
0x71: {  	_ =	swait.ge [sflag:s24], $0x4000  }
0x72: {  	[sflag:s24] =	ssyncset.done $0x0  }
0x73: {  	[sflag:s24] =	ssyncadd.s32 $0xFFFFC000  }
0x74: {  	_ =	swait.ge [sflag:s21], $0x800  }
0x75: {  	[sflag:s21] =	ssyncset.done $0x0  }
0x76: {  	s6 =	simm.s32 $0x8280;
	[sflag:s21] =	ssyncadd.s32 $0xFFFFF800  }
0x77: {  	[spmem:s2] =	stream.indirect.scatter.add.f32 [tilespmem:s23], [sflag:$0x6], $0x80, s6, s22, $0xb8;
	[tilespmem:$0x1CB00] =	vst v63  }
0x78: {  	_ =	swait.ge [sflag:s24], $0x800  }
0x79: {  	s0 =	sadd.s32 $0x1, s0;
	[sflag:s24] =	ssyncset.done $0x0  }
0x7a: {  	p0 =	sne.s32 s0, s12;
	[sflag:s24] =	ssyncadd.s32 $0xFFFFF800  }
.Ltmp1:
0x7b: {  	[bflag:$0x0] =	sbarrier.arrive $0xFFFF;
	(pc) =	sbr.rel @p0 .LBB2_1-.Ltmp1, $4  }
0x7c: {  	[hbm:s11], [sflag:s3] =	dma.local [spmem:s31], $0x2800  }
0x7d: {  	_ =	swait.ge [sflag:s24], $0x2800  }
0x7e: {  	[sflag:s24] =	ssyncset.done $0x0  }
0x7f: {  	[sflag:s24] =	ssyncadd.s32 $0xFFFFD800  }
0x80: {  	_ =	sfence.sel $0x180000  }
0x81: {  	[bflag:$0x0] =	sbarrier.arrive $0xFFFF  }
0x82: {  	_ =	strace $0x9000004D  }
0x83: {  	s0 =	stileid.u32;
	[bflag:$0x2] =	sbarrier.arrive $0xFFFF  }
0x84: {  	p0 =	sne.s32 s0, $0x0;
	s0 =	rddreg [dreg:$0x3]  }
0x85: {  	s0 =	sadd.s32 @!p0 $0x100000, s0  }
0x86: {  	[sflag:s0] =	ssyncadd.tile.s32 @!p0 $0x1;
	_ =	shalt  }
.Lfunc_end2:
_tile_overlayer_lowered:
.L_overlay_start_2:
0x87: {  	(tag) =	ssettag $0x2  }
0x88: {  	s0 =	rddreg [dreg:$0x0];
	s2 =	stileid.u32  }
0x89: {  	s1 =	rddreg [dreg:$0x1];
	p0 =	sne.s32 s2, $0x0  }
0x8a: {  	s3 =	rddreg [dreg:$0x2];
	[bflag:$0x3] =	sbarrier.arrive $0xFFFF;
	s2 =	simm.s32 @!p0 $0x1C06  }
0x8b: {  	[timem:s3], [sflag:s2] =	dma.local @!p0 [hbm:s0], s1  }
0x8c: {  	s0 =	simm.s32 @!p0 $0x6  }
0x8d: {  	_ =	swait.ge @!p0 [sflag:s0], s1  }
0x8e: {  	s1 =	ssub.s32 @!p0 $0x0, s1;
	[sflag:s0] =	ssyncset.done @!p0 $0x0  }
0x8f: {  	[sflag:s0] =	ssyncadd.s32 @!p0 s1  }
0x90: {  	[bflag:$0x3] =	sbarrier.arrive $0xFFFF  }
0x91: {  	_ =	shalt  }

// kernel: kernel.8.cloned.1.call-start
scs
__scs_entry_jumppad:
0x0: {  	(pc) =	sbr.rel $0x88, $3  }
0x1: {  	(tag) =	ssettag $0x0;
	lr =	simm.s32 $0x1  }
0x2: {  	[smem:$0x3F93] =	sst lr;
	_ =	strace $0xD0000000  }
0x3: {  	_ = 	snop  }
0x4: {  	_ = 	snop  }
0x5: {  	_ = 	snop  }
0x6: {  	_ = 	snop  }
0x7: {  	_ = 	snop  }
__scs_overlays_trampoline_lowered:
0x8: {  	[smem:$0x3FA2] =	sst s0  }
0x9: {  	[smem:$0x3FA3] =	sst s1  }
0xa: {  	[smem:$0x3FA4] =	sst s2  }
0xb: {  	[smem:$0x3FA5] =	sst s3  }
0xc: {  	[smem:$0x3FA6] =	sst s4  }
0xd: {  	[smem:$0x3FA7] =	sst s5  }
0xe: {  	[smem:$0x3FA8] =	sst s6  }
0xf: {  	[smem:$0x3FA9] =	sst s7  }
0x10: {  	[smem:$0x3FAA] =	sst s8  }
0x11: {  	[smem:$0x3FAB] =	sst s9;
	s0 =	simm.s32 @!p0 $0x0  }
0x12: {  	s1 =	sld [smem:$0x3F91];
	s0 =	simm.s32 @p0 $0x1  }
0x13: {  	[smem:$0x3FAC] =	sst s0;
	s0 =	simm.s32 @!p1 $0x0  }
0x14: {  	s2 =	sld [smem:$0x3F90];
	s0 =	simm.s32 @p1 $0x1  }
0x15: {  	[smem:$0x3FAD] =	sst s0;
	s0 =	simm.s32 @!p2 $0x0  }
0x16: {  	s3 =	sld [smem:$0x3FDB];
	s0 =	simm.s32 @p2 $0x1  }
0x17: {  	s4 =	simm.s32 $0x1BF5;
	[smem:$0x3FAF] =	sst s0  }
0x18: {  	s0 =	sld [smem:$0x3F92];
	_ =	swait.ge [sflag:s4], $0x0  }
0x19: {  	s7 =	sld [smem:$0x3F93]  }
0x1a: {  	s8 =	sadd.s32 $0xFFFFE003, lr  }
0x1b: {  	s9 =	sadd.s32 $0xFFFFFEF7, lr;
	s5 =	simm.s32 $0xFFFFFFFF;
	p2 =	slt.u32 s8, $0xFFFFF086  }
0x1c: {  	p1 =	slt.u32 s9, $0xF7A;
	s5 =	simm.s32 @!p2 $0x0  }
0x1d: {  	s5 =	simm.s32 @p1 $0x1;
	p0 =	seq.s32 s7, s2  }
0x1e: {  	s7 =	smul.u32 @!p0 $0xF7A, s2;
	p2 =	seq.s32 @!p0 s5, $0x0  }
0x1f: {  	s9 =	smul.u32 $0xF7A, s1;
	s8 =	simm.s32 @!p0 $0x1BF5;
	p2 =	por !p2, p0  }
0x20: {  	[sflag:s8] =	ssyncset.s32 @!p0 $0xFFFFF086;
	s6 =	sadd.s32 @!p0 s3, s7;
	s7 =	simm.s32 @!p0 $0x108  }
0x21: {  	s3 =	sadd.s32 s3, s9;
	s6 =	sadd.s32 @!p0 $0x88, s6;
	s7 =	simm.s32 @p2 $0x1082  }
0x22: {  	[simem:s7], [sflag:s8] =	dma.local @!p0 [hbm:s6], $0xF7A  }
0x23: {  	s9 =	sor.u32 $0xD0000000, s2;
	s6 =	simm.s32 $0x108;
	_ =	swait.ge @!p0 [sflag:s8], $0x0  }
0x24: {  	s3 =	sadd.s32 $0x88, s3;
	s6 =	simm.s32 @!p1 $0x1082;
	[sflag:s4] =	ssyncset.s32 $0xFFFFF086  }
0x25: {  	[simem:s6], [sflag:s4] =	dma.local [hbm:s3], $0xF7A  }
0x26: {  	[smem:$0x3F93] =	sst s1;
	(tag) =	ssettag s2;
	_ =	strace s9  }
0x27: {  	s1 =	sld [smem:$0x3FA3]  }
0x28: {  	s2 =	sld [smem:$0x3FA4]  }
0x29: {  	s4 =	sld [smem:$0x3FA6]  }
0x2a: {  	p0 =	seq.s32 s5, $0x0;
	s5 =	sld [smem:$0x3FA7]  }
0x2b: {  	s6 =	sld [smem:$0x3FA8]  }
0x2c: {  	s7 =	sld [smem:$0x3FA9]  }
0x2d: {  	s3 =	simm.s32 $0x108;
	s8 =	sld [smem:$0x3FAA]  }
0x2e: {  	s3 =	simm.s32 @!p0 $0x1082;
	s9 =	sld [smem:$0x3FAB]  }
0x2f: {  	lr =	sadd.s32 s0, s3;
	s0 =	sld [smem:$0x3FA2]  }
0x30: {  	s3 =	sld [smem:$0x3FA5]  }
0x31: {  	[smem:$0x3FAE] =	sst s10  }
0x32: {  	s10 =	sld [smem:$0x3FAC];
	_ =	sdelay $0x3  }
0x33: {  	p0 =	seq.s32 s10, $0x1;
	s10 =	sld [smem:$0x3FAE];
	_ =	sdelay $0x3  }
0x34: {  	[smem:$0x3FAE] =	sst s10  }
0x35: {  	s10 =	sld [smem:$0x3FAD];
	_ =	sdelay $0x3  }
0x36: {  	p1 =	seq.s32 s10, $0x1;
	s10 =	sld [smem:$0x3FAE];
	_ =	sdelay $0x3  }
0x37: {  	[smem:$0x3FAE] =	sst s10  }
0x38: {  	s10 =	sld [smem:$0x3FAF]  }
0x39: {  	_ = 	snop;
	(pc) =	sbr.ind lr, $3  }
0x3a: {  	_ = 	snop  }
0x3b: {  	_ = 	snop  }
0x3c: {  	p2 =	seq.s32 s10, $0x1;
	s10 =	sld [smem:$0x3FAE]  }
0x3d: {  	_ =	shalt  }
0x3e: {  	_ =	shalt  }
0x3f: {  	_ =	shalt  }
0x40: {  	_ =	shalt  }
0x41: {  	_ =	shalt  }
0x42: {  	_ =	shalt  }
0x43: {  	_ =	shalt  }
0x44: {  	_ =	shalt  }
0x45: {  	_ =	shalt  }
0x46: {  	_ =	shalt  }
0x47: {  	_ =	shalt  }
0x48: {  	_ =	shalt  }
0x49: {  	_ =	shalt  }
0x4a: {  	_ =	shalt  }
0x4b: {  	_ =	shalt  }
0x4c: {  	_ =	shalt  }
0x4d: {  	_ =	shalt  }
0x4e: {  	_ =	shalt  }
0x4f: {  	_ =	shalt  }
0x50: {  	_ =	shalt  }
0x51: {  	_ =	shalt  }
0x52: {  	_ =	shalt  }
0x53: {  	_ =	shalt  }
0x54: {  	_ =	shalt  }
0x55: {  	_ =	shalt  }
0x56: {  	_ =	shalt  }
0x57: {  	_ =	shalt  }
0x58: {  	_ =	shalt  }
0x59: {  	_ =	shalt  }
0x5a: {  	_ =	shalt  }
0x5b: {  	_ =	shalt  }
0x5c: {  	_ =	shalt  }
0x5d: {  	_ =	shalt  }
0x5e: {  	_ =	shalt  }
0x5f: {  	_ =	shalt  }
0x60: {  	_ =	shalt  }
0x61: {  	_ =	shalt  }
0x62: {  	_ =	shalt  }
0x63: {  	_ =	shalt  }
0x64: {  	_ =	shalt  }
0x65: {  	_ =	shalt  }
0x66: {  	_ =	shalt  }
0x67: {  	_ =	shalt  }
0x68: {  	_ =	shalt  }
0x69: {  	_ =	shalt  }
0x6a: {  	_ =	shalt  }
0x6b: {  	_ =	shalt  }
0x6c: {  	_ =	shalt  }
0x6d: {  	_ =	shalt  }
0x6e: {  	_ =	shalt  }
0x6f: {  	_ =	shalt  }
0x70: {  	_ =	shalt  }
0x71: {  	_ =	shalt  }
0x72: {  	_ =	shalt  }
0x73: {  	_ =	shalt  }
0x74: {  	_ =	shalt  }
0x75: {  	_ =	shalt  }
0x76: {  	_ =	shalt  }
0x77: {  	_ =	shalt  }
0x78: {  	_ =	shalt  }
0x79: {  	_ =	shalt  }
0x7a: {  	_ =	shalt  }
0x7b: {  	_ =	shalt  }
0x7c: {  	_ =	shalt  }
0x7d: {  	_ =	shalt  }
0x7e: {  	_ =	shalt  }
0x7f: {  	_ =	shalt  }
0x80: {  	_ =	shalt  }
0x81: {  	_ =	shalt  }
0x82: {  	_ =	shalt  }
0x83: {  	_ =	shalt  }
0x84: {  	_ =	shalt  }
0x85: {  	_ =	shalt  }
0x86: {  	_ =	shalt  }
0x87: {  	_ =	shalt  }
.Lfunc_end0:
.L_simem_size_0:
called_computation_lowered:
.L_overlay_start_0:
0x88: {  	s2 =	sld [smem:$0x3FD9]  }
0x89: {  	s3 =	sld [smem:$0x3FFE];
	_ =	sdelay $0x1  }
0x8a: {  	s1 =	srdreg.scid  }
0x8b: {  	s0 =	sand.u32 $0x1, s1  }
0x8c: {  	s17 =	sshll.u32 s0, $0xA;
	s2 =	sadd.s32 s3, s2  }
0x8d: {  	s2 =	sadd.s32 s2, s17  }
0x8e: {  	[smem:$0x3FBA] =	sst s2  }
0x8f: {  	_ = 	snop  }
0x90: {  	s2 =	sld [smem:$0x3FC9];
	(tm) =	ssettm $0x1  }
0x91: {  	s18 =	sld [smem:$0x3FFB];
	_ =	sdelay $0x3  }
0x92: {  	_ =	strace s18  }
0x93: {  	s3 =	sld [smem:$0x3FFC];
	_ =	sdelay $0x3  }
0x94: {  	_ =	strace s3  }
0x95: {  	s3 =	sld [smem:$0x3FFD];
	_ =	sdelay $0x3  }
0x96: {  	_ =	strace s3  }
0x97: {  	_ =	strace $0x8FFFFFFF  }
0x98: {  	s19 =	sld [smem:$0x3FDB];
	_ =	sdelay $0x1  }
0x99: {  	s4 =	simm.s32 $_scs_section_size  }
0x9a: {  	s5 =	simm.s32 $_size__tile_overlayer_lowered;
	s6 =	simm.s32 $_tile_overlayer_lowered  }
0x9b: {  	s22 =	simm.s32 $0x1BFF;
	s21 =	sshll.u32 s6, $0x1;
	s3 =	sadd.s32 s4, s19  }
0x9c: {  	s7 =	simm.s32 $0x0;
	s20 =	sshll.u32 s5, $0x1;
	s5 =	sadd.s32 s21, s3  }
0x9d: {  	[timem:s7], [sflag:s22] =	dma.local [hbm:s5], s20  }
0x9e: {  	_ =	swait.ge [sflag:s22], s20  }
0x9f: {  	s4 =	ssub.s32 $0x0, s20;
	[sflag:s22] =	ssyncset.done $0x0  }
0xa0: {  	[sflag:s22] =	ssyncadd.s32 s4;
	_ =	sdelay $0x1  }
0xa1: {  	s23 =	simm.s32 $0x1B8B  }
0xa2: {  	_ =	swait.ge [sflag:s23], $0x1  }
0xa3: {  	[sflag:s23] =	ssyncset.done $0x0  }
0xa4: {  	s25 =	simm.s32 $0x1B8E;
	s24 =	sld [smem:$0x3FFE];
	[sflag:s23] =	ssyncadd.s32 $0xFFFFFFFF  }
0xa5: {  	s26 =	simm.s32 $execute0_lowered;
	[smem:$0x3FD2] =	sst s25  }
0xa6: {  	s5 =	sshll.u32 s26, $0x1;
	_ =	strace $0x80000046;
	[dreg:$0x1] =	wrdreg $0xFFFFFFFF  }
0xa7: {  	s28 =	simm.s32 $_size_execute0_lowered;
	s3 =	sadd.s32 s3, s5;
	[dreg:$0x0] =	wrdreg $0x0  }
0xa8: {  	s5 =	sshll.u32 s28, $0x1;
	[dreg:$0x2] =	wrdreg s3  }
0xa9: {  	[dreg:$0x3] =	wrdreg s5  }
0xaa: {  	[dreg:$0x4] =	wrdreg $0xC0  }
0xab: {  	_ =	task [dreg:s7], $0x5FFFF  }
0xac: {  	[dreg:$0x1] =	wrdreg $0xFFFFFFFF  }
0xad: {  	[dreg:$0x0] =	wrdreg $0x60  }
0xae: {  	[dreg:$0x2] =	wrdreg s2  }
0xaf: {  	[dreg:$0x3] =	wrdreg s24  }
0xb0: {  	[dreg:$0x4] =	wrdreg $0x8B000  }
0xb1: {  	[dreg:$0x5] =	wrdreg $0x9  }
0xb2: {  	_ =	task.clear_ibuf [dreg:s7], $0x6FFFF;
	_ =	strace $0x90000046  }
0xb3: {  	s29 =	simm.s32 $0x9;
	_ =	strace $0x80000048  }
0xb4: {  	_ =	swait.ge [sflag:s29], $0x1  }
0xb5: {  	[sflag:s29] =	ssyncadd.s32 $0xFFFFFFFF  }
0xb6: {  	_ =	strace $0x90000048  }
0xb7: {  	_ =	sfence  }
0xb8: {  	s30 =	sld [smem:$0x0];
	_ =	sdelay $0x2  }
0xb9: {  	s31 =	sshll.u32 s1, $0xD;
	s1 =	sshrl.u32 s1, $0x2  }
0xba: {  	s3 =	sand.u32 $0x4000, s31;
	s1 =	sadd.s32 s1, s30  }
0xbb: {  	s0 =	sor.u32 s3, s0;
	s1 =	sshll.u32 s1, $0x11  }
0xbc: {  	s0 =	sor.u32 s1, s0  }
0xbd: {  	s0 =	sadd.s32 $0x8F2B, s0  }
0xbe: {  	[sflag:s0] =	ssyncadd.remote.s32 $0x1  }
0xbf: {  	_ =	sfence.sel $0xFFFF  }
0xc0: {  	[dreg:$0x0] =	wrdreg $0xFFFFFFFF;
	(pc) =	sbr.abs _section_cstart, $3  }
0xc1: {  	[dreg:$0x1] =	wrdreg $0xFFFFFFFF  }
0xc2: {  	_ =	task.clear_ibuf [dreg:s7], $0x2FFFF;
	_ =	strace $0x9FFFFFFF  }
0xc3: {  	(tm) =	ssettm $0x7FFFFFFF  }
tec
execute0_lowered:
.L_overlay_start_1:
0x0: {  	(tag) =	ssettag $0x1  }
0x1: {  	s1 =	rddreg [dreg:$0x0]  }
0x2: {  	s0 =	rddreg [dreg:$0x1]  }
0x3: {  	s2 =	rddreg [dreg:$0x2]  }
0x4: {  	s3 =	srdreg.scid;
	s4 =	simm.s32 $0x0;
	s12 =	stileid.u32  }
0x5: {  	s15 =	simm.s32 $0x80;
	s16 =	simm.s32 $0x4F000;
	s17 =	simm.s32 $0x8200  }
0x6: {  	s28 =	simm.s32 $0x4200;
	s29 =	simm.s32 $0x2;
	s30 =	simm.s32 $0x180  }
0x7: {  	s3 =	sand.u32 $0x1, s3;
	[smem:$0x7FF] =	sst s4;
	s6 =	smul.u32 $0x14000, s12  }
0x8: {  	s10 =	sshll.u32 s12, $0x7;
	s5 =	sshll.u32 s3, $0x4;
	_ =	strace $0x80000047  }
0x9: {  	s8 =	smul.u32 $0x140000, s3;
	s18 =	sand.u32 $0x380, s10;
	s3 =	ssub.s32 $0x2, s3  }
0xa: {  	s25 =	sor.u32 $0xC00, s10;
	s7 =	sor.u32 s12, s5;
	s5 =	sadd.s32 $0x4000, s0  }
0xb: {  	s9 =	sshrl.u32 s6, $0x3;
	s19 =	sshrl.u32 s3, $0x1;
	s12 =	smul.u32 $0x50000, s12  }
0xc: {  	s7 =	sshrl.u32 s7, $0x3;
	s11 =	sadd.s32 s9, s0;
	s6 =	sadd.s32 s6, s8  }
0xd: {  	s3 =	ssub.s32 s3, s19;
	s19 =	simm.s32 $0x200;
	s7 =	smul.u32 $0x13C00, s7  }
0xe: {  	s6 =	sshrl.u32 s6, $0x3;
	s26 =	sshrl.u32 s12, $0x2;
	s10 =	sadd.s32 $0x17C00, s11  }
0xf: {  	s12 =	smax.u32 s3, $0x1;
	s0 =	sadd.s32 s6, s0;
	s8 =	sor.u32 s18, s7  }
0x10: {  	s7 =	sadd.s32 s7, s25;
	s11 =	sadd.s32 $0x3FC00, s0;
	s18 =	simm.s32 $0x3  }
0x11: {  	s25 =	simm.s32 $0x1;
	s0 =	simm.s32 $0x0;
	s20 =	sshrl.u32 s8, $0x3  }
0x12: {  	s22 =	sadd.s32 $0x13800, s8;
	s23 =	sadd.s32 $0x400, s8;
	s31 =	sshrl.u32 s7, $0x3  }
0x13: {  	s14 =	sadd.s32 $0x800, s8;
	s21 =	sadd.s32 s5, s20;
	s6 =	sshrl.u32 s22, $0x3  }
0x14: {  	s24 =	sshrl.u32 s23, $0x3;
	s13 =	sadd.s32 s31, s5;
	s20 =	simm.s32 $0x100  }
0x15: {  	s22 =	simm.s32 $0x10;
	[dreg:$0x4] =	wrdreg s21;
	s6 =	sadd.s32 s5, s6  }
0x16: {  	s23 =	simm.s32 $0x8300;
	[dreg:$0x5] =	wrdreg s6;
	s6 =	sadd.s32 s5, s24  }
0x17: {  	s21 =	simm.s32 $0x5;
	[dreg:$0x6] =	wrdreg s6;
	s6 =	sadd.s32 s26, s2  }
0x18: {  	s24 =	simm.s32 $0x6;
	s26 =	simm.s32 $0x4;
	[dreg:$0x7] =	wrdreg s6  }
.LBB2_1:
0x19: {  	s3 =	rddreg [dreg:$0x4]  }
0x1a: {  	[tilespmem:s4], [sflag:$0x3] =	stream.strided.gather [hbm4b:s3+s15], $0x100, s16, s15, $0x38;
	[tilespmem:$0x1CB00] =	vst v63  }
0x1b: {  	s6 =	rddreg [dreg:$0x5]  }
0x1c: {  	[tilespmem:s17], [sflag:$0x5] =	stream.strided.gather [hbm4b:s6+s15], $0x100, s16, s15, $0x38;
	[tilespmem:$0x1CB00] =	vst v63  }
0x1d: {  	_ =	swait.ge [sflag:s18], $0x100  }
0x1e: {  	[sflag:s18] =	ssyncset.done $0x0  }
0x1f: {  	[sflag:s18] =	ssyncadd.s32 $0xFFFFFF00  }
0x20: {  	[tilespmem:s19], [sflag:$0x1] =	stream.indirect.gather [hbm4b:s1+s15], $0x80, s4, s15, $0xb8;
	[tilespmem:$0x1CB00] =	vst v63  }
0x21: {  	s7 =	rddreg [dreg:$0x6]  }
0x22: {  	[tilespmem:s20], [sflag:$0x4] =	stream.strided.gather [hbm4b:s7+s15], $0x100, s16, s15, $0x38;
	[tilespmem:$0x1CB00] =	vst v63  }
0x23: {  	s8 =	stileid.u32;
	_ =	swait.ge [sflag:s21], $0x100  }
0x24: {  	s3 =	sshll.u32 s8, $0x6;
	[sflag:s21] =	ssyncset.done $0x0;
	s6 =	rddreg [dreg:$0x7]  }
0x25: {  	s3 =	sor.u32 $0x1C06, s3;
	[sflag:s21] =	ssyncadd.s32 $0xFFFFFF00;
	s31 =	sshrl.u32 s6, $0x3  }
0x26: {  	[tilespmem:s23], [sflag:$0x5] =	stream.indirect.gather [hbm4b:s1+s22], $0x80, s17, s22, $0xb8;
	[tilespmem:$0x1CB00] =	vst v63  }
0x27: {  	[spmem:s31], [sflag:s3] =	dma.local [hbm:s10], $0x2800  }
0x28: {  	_ =	swait.ge [sflag:s24], $0x2800  }
0x29: {  	[sflag:s24] =	ssyncset.done $0x0  }
0x2a: {  	[sflag:s24] =	ssyncadd.s32 $0xFFFFD800  }
0x2b: {  	[bflag:$0x0] =	sbarrier.arrive $0xFFFF  }
0x2c: {  	_ =	swait.ge [sflag:s25], $0x4000  }
0x2d: {  	[sflag:s25] =	ssyncset.done $0x0  }
0x2e: {  	[sflag:s25] =	ssyncadd.s32 $0xFFFFC000  }
0x2f: {  	_ =	swait.ge [sflag:s26], $0x100  }
0x30: {  	[sflag:s26] =	ssyncset.done $0x0  }
0x31: {  	[sflag:s26] =	ssyncadd.s32 $0xFFFFFF00  }
0x32: {  	[tilespmem:s28], [sflag:$0x2] =	stream.indirect.gather [hbm4b:s1+s15], $0x80, s20, s15, $0xb8;
	[tilespmem:$0x1CB00] =	vst v63  }
0x33: {  	_ = 	snop  }
0x34: {  	[spmem:s2] =	stream.indirect.scatter.add.f32 [tilespmem:s19], [sflag:$0x6], $0x80, s15, s15, $0xb8;
	[tilespmem:$0x1CB00] =	vst v63  }
0x35: {  	_ =	swait.ge [sflag:s24], $0x4000  }
0x36: {  	s9 =	sshrl.u32 s14, $0x3;
	[sflag:s24] =	ssyncset.done $0x0  }
0x37: {  	s6 =	sadd.s32 s5, s9;
	[sflag:s24] =	ssyncadd.s32 $0xFFFFC000  }
0x38: {  	[tilespmem:s4], [sflag:$0x3] =	stream.strided.gather [hbm4b:s6+s15], $0x100, s16, s15, $0x38;
	[tilespmem:$0x1CB00] =	vst v63  }
0x39: {  	_ =	swait.ge [sflag:s29], $0x4000  }
0x3a: {  	[sflag:s29] =	ssyncset.done $0x0  }
0x3b: {  	[sflag:s29] =	ssyncadd.s32 $0xFFFFC000  }
0x3c: {  	_ =	swait.ge [sflag:s18], $0x100  }
0x3d: {  	[sflag:s18] =	ssyncset.done $0x0  }
0x3e: {  	[sflag:s18] =	ssyncadd.s32 $0xFFFFFF00  }
0x3f: {  	[tilespmem:s19], [sflag:$0x1] =	stream.indirect.gather [hbm4b:s1+s15], $0x80, s4, s15, $0xb8;
	[tilespmem:$0x1CB00] =	vst v63  }
0x40: {  	_ = 	snop  }
0x41: {  	[spmem:s2] =	stream.indirect.scatter.add.f32 [tilespmem:s28], [sflag:$0x6], $0x80, s30, s15, $0xb8;
	[tilespmem:$0x1CB00] =	vst v63  }
0x42: {  	_ =	swait.ge [sflag:s24], $0x4000  }
0x43: {  	s8 =	sadd.s32 $0x0, s13;
	[sflag:s24] =	ssyncset.done $0x0  }
0x44: {  	s7 =	sadd.s32 $0x800, s14;
	s6 =	simm.s32 $0x100;
	[sflag:s24] =	ssyncadd.s32 $0xFFFFC000  }
.LBB2_2:
0x45: {  	[tilespmem:s20], [sflag:$0x4] =	stream.strided.gather [hbm4b:s8+s15], $0x100, s16, s15, $0x38;
	[tilespmem:$0x1CB00] =	vst v63  }
0x46: {  	s8 =	smov.u32 s6  }
0x47: {  	p0 =	sne.s32 s6, $0x2500;
	s6 =	sadd.s32 $0x100, s6;
	_ =	swait.ge [sflag:s25], $0x4000  }
0x48: {  	[sflag:s25] =	ssyncset.done $0x0  }
0x49: {  	[sflag:s25] =	ssyncadd.s32 $0xFFFFC000  }
0x4a: {  	_ =	swait.ge [sflag:s26], $0x100  }
0x4b: {  	[sflag:s26] =	ssyncset.done $0x0  }
0x4c: {  	[sflag:s26] =	ssyncadd.s32 $0xFFFFFF00  }
0x4d: {  	[tilespmem:s28], [sflag:$0x2] =	stream.indirect.gather [hbm4b:s1+s15], $0x80, s20, s15, $0xb8;
	[tilespmem:$0x1CB00] =	vst v63  }
0x4e: {  	_ = 	snop  }
0x4f: {  	[spmem:s2] =	stream.indirect.scatter.add.f32 [tilespmem:s19], [sflag:$0x6], $0x80, s15, s15, $0xb8;
	[tilespmem:$0x1CB00] =	vst v63  }
0x50: {  	_ =	swait.ge [sflag:s24], $0x4000  }
0x51: {  	s9 =	sshrl.u32 s7, $0x3;
	[sflag:s24] =	ssyncset.done $0x0  }
0x52: {  	s9 =	sadd.s32 s5, s9;
	[sflag:s24] =	ssyncadd.s32 $0xFFFFC000  }
0x53: {  	[tilespmem:s4], [sflag:$0x3] =	stream.strided.gather [hbm4b:s9+s15], $0x100, s16, s15, $0x38;
	[tilespmem:$0x1CB00] =	vst v63  }
0x54: {  	_ =	swait.ge [sflag:s29], $0x4000  }
0x55: {  	[sflag:s29] =	ssyncset.done $0x0  }
0x56: {  	[sflag:s29] =	ssyncadd.s32 $0xFFFFC000  }
0x57: {  	_ =	swait.ge [sflag:s18], $0x100  }
0x58: {  	[sflag:s18] =	ssyncset.done $0x0  }
0x59: {  	[sflag:s18] =	ssyncadd.s32 $0xFFFFFF00  }
0x5a: {  	[tilespmem:s19], [sflag:$0x1] =	stream.indirect.gather [hbm4b:s1+s15], $0x80, s4, s15, $0xb8;
	[tilespmem:$0x1CB00] =	vst v63  }
.Ltmp0:
0x5b: {  	(pc) =	sbr.rel @p0 .LBB2_2-.Ltmp0, $4  }
0x5c: {  	[spmem:s2] =	stream.indirect.scatter.add.f32 [tilespmem:s28], [sflag:$0x6], $0x80, s30, s15, $0xb8;
	[tilespmem:$0x1CB00] =	vst v63  }
0x5d: {  	_ =	swait.ge [sflag:s24], $0x4000  }
0x5e: {  	[sflag:s24] =	ssyncset.done $0x0  }
0x5f: {  	s7 =	sadd.s32 $0x800, s7;
	s8 =	sadd.s32 s8, s13;
	[sflag:s24] =	ssyncadd.s32 $0xFFFFC000  }
0x60: {  	[tilespmem:s20], [sflag:$0x4] =	stream.strided.gather [hbm4b:s8+s15], $0x100, s16, s15, $0x38;
	[tilespmem:$0x1CB00] =	vst v63  }
0x61: {  	_ =	swait.ge [sflag:s25], $0x4000  }
0x62: {  	[sflag:s25] =	ssyncset.done $0x0  }
0x63: {  	[sflag:s25] =	ssyncadd.s32 $0xFFFFC000  }
0x64: {  	_ =	swait.ge [sflag:s26], $0x100  }
0x65: {  	[sflag:s26] =	ssyncset.done $0x0  }
0x66: {  	[sflag:s26] =	ssyncadd.s32 $0xFFFFFF00  }
0x67: {  	[tilespmem:s28], [sflag:$0x2] =	stream.indirect.gather [hbm4b:s1+s15], $0x80, s20, s15, $0xb8;
	[tilespmem:$0x1CB00] =	vst v63  }
0x68: {  	_ = 	snop  }
0x69: {  	[spmem:s2] =	stream.indirect.scatter.add.f32 [tilespmem:s19], [sflag:$0x6], $0x80, s15, s15, $0xb8;
	[tilespmem:$0x1CB00] =	vst v63  }
0x6a: {  	_ =	swait.ge [sflag:s24], $0x4000  }
0x6b: {  	[sflag:s24] =	ssyncset.done $0x0  }
0x6c: {  	[sflag:s24] =	ssyncadd.s32 $0xFFFFC000  }
0x6d: {  	_ =	swait.ge [sflag:s29], $0x4000  }
0x6e: {  	[sflag:s29] =	ssyncset.done $0x0  }
0x6f: {  	[sflag:s29] =	ssyncadd.s32 $0xFFFFC000  }
0x70: {  	[spmem:s2] =	stream.indirect.scatter.add.f32 [tilespmem:s28], [sflag:$0x6], $0x80, s30, s15, $0xb8;
	[tilespmem:$0x1CB00] =	vst v63  }
0x71: {  	_ =	swait.ge [sflag:s24], $0x4000  }
0x72: {  	[sflag:s24] =	ssyncset.done $0x0  }
0x73: {  	[sflag:s24] =	ssyncadd.s32 $0xFFFFC000  }
0x74: {  	_ =	swait.ge [sflag:s21], $0x800  }
0x75: {  	[sflag:s21] =	ssyncset.done $0x0  }
0x76: {  	s6 =	simm.s32 $0x8280;
	[sflag:s21] =	ssyncadd.s32 $0xFFFFF800  }
0x77: {  	[spmem:s2] =	stream.indirect.scatter.add.f32 [tilespmem:s23], [sflag:$0x6], $0x80, s6, s22, $0xb8;
	[tilespmem:$0x1CB00] =	vst v63  }
0x78: {  	_ =	swait.ge [sflag:s24], $0x800  }
0x79: {  	s0 =	sadd.s32 $0x1, s0;
	[sflag:s24] =	ssyncset.done $0x0  }
0x7a: {  	p0 =	sne.s32 s0, s12;
	[sflag:s24] =	ssyncadd.s32 $0xFFFFF800  }
.Ltmp1:
0x7b: {  	[bflag:$0x0] =	sbarrier.arrive $0xFFFF;
	(pc) =	sbr.rel @p0 .LBB2_1-.Ltmp1, $4  }
0x7c: {  	[hbm:s11], [sflag:s3] =	dma.local [spmem:s31], $0x2800  }
0x7d: {  	_ =	swait.ge [sflag:s24], $0x2800  }
0x7e: {  	[sflag:s24] =	ssyncset.done $0x0  }
0x7f: {  	[sflag:s24] =	ssyncadd.s32 $0xFFFFD800  }
0x80: {  	_ =	sfence.sel $0x180000  }
0x81: {  	[bflag:$0x0] =	sbarrier.arrive $0xFFFF  }
0x82: {  	_ =	strace $0x90000047  }
0x83: {  	s0 =	stileid.u32;
	[bflag:$0x2] =	sbarrier.arrive $0xFFFF  }
0x84: {  	p0 =	sne.s32 s0, $0x0;
	s0 =	rddreg [dreg:$0x3]  }
0x85: {  	s0 =	sadd.s32 @!p0 $0x100000, s0  }
0x86: {  	[sflag:s0] =	ssyncadd.tile.s32 @!p0 $0x1;
	_ =	shalt  }
.Lfunc_end2:
_tile_overlayer_lowered:
.L_overlay_start_2:
0x87: {  	(tag) =	ssettag $0x2  }
0x88: {  	s0 =	rddreg [dreg:$0x0];
	s2 =	stileid.u32  }
0x89: {  	s1 =	rddreg [dreg:$0x1];
	p0 =	sne.s32 s2, $0x0  }
0x8a: {  	s3 =	rddreg [dreg:$0x2];
	[bflag:$0x3] =	sbarrier.arrive $0xFFFF;
	s2 =	simm.s32 @!p0 $0x1C06  }
0x8b: {  	[timem:s3], [sflag:s2] =	dma.local @!p0 [hbm:s0], s1  }
0x8c: {  	s0 =	simm.s32 @!p0 $0x6  }
0x8d: {  	_ =	swait.ge @!p0 [sflag:s0], s1  }
0x8e: {  	s1 =	ssub.s32 @!p0 $0x0, s1;
	[sflag:s0] =	ssyncset.done @!p0 $0x0  }
0x8f: {  	[sflag:s0] =	ssyncadd.s32 @!p0 s1  }
0x90: {  	[bflag:$0x3] =	sbarrier.arrive $0xFFFF  }
0x91: {  	_ =	shalt  }

</sc_bundles>
